<compile_context>
chip_gen: v7x
topology: tpu7x:2x2x1
jax: 0.10.2.dev20260603
libtpu: 0.0.44.dev20260713+nightly
codegen_flags: <defaults>
</compile_context>

<pallas_src>
import functools

import jax
import jax.numpy as jnp
from jax import lax
from jax.experimental import pallas as pl
from jax.experimental.pallas import tpu as pltpu
from jax.experimental.pallas import tpu_sc as plsc

B = 4096
D = 64
NSC = 2048
NTC = B - NSC
UNROLL = 8

NC = 2
NS = 16
NW = NC * NS
BPW = NSC // NW

_mesh = plsc.VectorSubcoreMesh(core_axis_name="c", subcore_axis_name="s")


@functools.partial(
    pl.kernel,
    mesh=_mesh,
    out_type=jax.ShapeDtypeStruct((NSC, D), jnp.float32),
    scratch_types=[
        pltpu.VMEM((BPW,), jnp.int32),
        pltpu.VMEM((BPW, D), jnp.float32),
        pltpu.SemaphoreType.DMA,
        pltpu.SemaphoreType.DMA,
    ],
)
def _sc_gather(nodes_hbm, table_hbm, out_hbm, idx_v, rows_v, isem, sem):
    wid = lax.axis_index("s") * NC + lax.axis_index("c")
    base = wid * BPW
    pltpu.async_copy(nodes_hbm.at[pl.ds(base, BPW)], idx_v, isem).wait()

    def chunk(cb, _):
        vals = idx_v[pl.ds(cb * 16, 16)]
        for t in range(16):
            pltpu.async_copy(
                table_hbm.at[pl.ds(vals[t], 1), :],
                rows_v.at[pl.ds(cb * 16 + t, 1), :], sem)
        return 0

    lax.fori_loop(0, BPW // 16, chunk, 0)
    pltpu.make_async_copy(table_hbm.at[pl.ds(0, BPW), :], rows_v, sem).wait()
    pltpu.sync_copy(rows_v, out_hbm.at[pl.ds(base, BPW)])


def _tc_body(idx_s, table_hbm, out_ref, rows_v, sem):
    def issue(jb, _):
        for u in range(UNROLL):
            j = jb * UNROLL + u
            pltpu.make_async_copy(
                table_hbm.at[pl.ds(idx_s[j], 1), :],
                rows_v.at[pl.ds(j, 1), :], sem).start()
        return 0

    lax.fori_loop(0, NTC // UNROLL, issue, 0)

    def drain(jb, _):
        for u in range(UNROLL):
            j = jb * UNROLL + u
            pltpu.make_async_copy(
                table_hbm.at[pl.ds(0, 1), :],
                rows_v.at[pl.ds(j, 1), :], sem).wait()
        return 0

    lax.fori_loop(0, NTC // UNROLL, drain, 0)

    x = rows_v[...]
    rinv = lax.rsqrt(jnp.sum(x * x, axis=1, keepdims=True))
    out_ref[...] = (x * rinv).T


def _tc_gather_norm(nodes_tc, table):
    grid_spec = pltpu.PrefetchScalarGridSpec(
        num_scalar_prefetch=1,
        grid=(1,),
        in_specs=[pl.BlockSpec(memory_space=pl.ANY)],
        out_specs=pl.BlockSpec((D, NTC), lambda i, idx: (0, 0)),
        scratch_shapes=[
            pltpu.VMEM((NTC, D), jnp.float32),
            pltpu.SemaphoreType.DMA,
        ],
    )
    return pl.pallas_call(
        _tc_body,
        grid_spec=grid_spec,
        out_shape=jax.ShapeDtypeStruct((D, NTC), jnp.float32),
    )(nodes_tc, table)


def _norm_t_body(rows_ref, out_ref):
    x = rows_ref[...]
    rinv = lax.rsqrt(jnp.sum(x * x, axis=1, keepdims=True))
    out_ref[...] = (x * rinv).T


def _norm_t(rows):
    return pl.pallas_call(
        _norm_t_body,
        out_shape=jax.ShapeDtypeStruct((D, NSC), jnp.float32),
    )(rows)


def kernel(nodes, table):
    nodes = nodes.astype(jnp.int32)
    rows_sc = _sc_gather(nodes[:NSC], table)
    out_tc = _tc_gather_norm(nodes[NSC:], table)
    out_sc = _norm_t(rows_sc)
    return jnp.concatenate([out_sc, out_tc], axis=1)

# --- scband reference (transcript-rebuilt; emitter-appended) ---
"""Pipeline reference for scband-direct-encoder-29729763623534 (READ-ONLY COPY).

The authoritative reference and input builder live on the scoring server;
editing this copy changes nothing except your own understanding.
"""

import jax, jax.numpy as jnp
import numpy as np


def setup_inputs(seed: int = 0) -> dict:
    key = jax.random.key(seed)
    k1, k2 = jax.random.split(key)
    nodes = jax.random.randint(k1, (4096,), 0, 100000, dtype=jnp.int64)
    table = jax.random.normal(k2, (100000, 64), dtype=jnp.float32)
    return {"nodes": nodes, "table": table}


def reference(nodes, table):
    # features(nodes, n_type): embedding lookup -> [num_node, embed_dim]
    embeds = jnp.take(table, nodes, axis=0)
    # .t() -> [embed_dim, num_node]
    embeds = embeds.T
    # norm(p=2, dim=0, keepdim=True) -> per-node L2 norm
    norm = jnp.sqrt(jnp.sum(embeds * embeds, axis=0, keepdims=True))
    return embeds / norm

if __name__ == "__main__":
    import jax
    _d = setup_inputs()
    print(jax.jit(kernel)(*tuple(_d.values())))

</pallas_src>

<mosaic_0001>
#map = affine_map<(d0, d1) -> (0)>
#map1 = affine_map<(d0, d1) -> (0, 0)>
module attributes {stable_mosaic.version = 14 : i64} {
  func.func @_sc_gather(%arg0: i32, %arg1: i32, %arg2: memref<2048xi32, #tpu.memory_space<hbm>>, %arg3: memref<100000x64xf32, #tpu.memory_space<hbm>>, %arg4: memref<2048x64xf32, #tpu.memory_space<hbm>>, %arg5: memref<64xi32, #tpu.memory_space<vmem>>, %arg6: memref<64x64xf32, #tpu.memory_space<vmem>>, %arg7: memref<!tpu.dma_semaphore, #tpu.memory_space<semaphore_mem>>, %arg8: memref<!tpu.dma_semaphore, #tpu.memory_space<semaphore_mem>>) attributes {dimension_semantics = [#tpu.dimension_semantics<core_parallel>, #tpu.dimension_semantics<subcore_parallel>], iteration_bounds = array<i64: 2, 16>, scalar_prefetch = 0 : i64, scratch_operands = 4 : i64, tpu.core_type = #tpu.core_type<sc_vector_subcore>, window_params = [{transform_indices = #map}, {transform_indices = #map1}, {transform_indices = #map1}]} {
    %mul3A = arith.constant 2 : i32
    %mul3A_0 = arith.muli %arg1, %mul3A : i32
    %add3A = arith.addi %mul3A_0, %arg0 : i32
    %mul3A_1 = arith.constant 64 : i32
    %mul3A_2 = arith.muli %add3A, %mul3A_1 : i32
    %dma_start3A = tpu.memref_slice %arg2[%mul3A_2] : memref<2048xi32, #tpu.memory_space<hbm>> -> memref<64xi32, #tpu.memory_space<hbm>>
    %dma_start3A_3 = tpu.memref_slice %arg2[%mul3A_2] : memref<2048xi32, #tpu.memory_space<hbm>> -> memref<64xi32, #tpu.memory_space<hbm>>
    tpu.enqueue_dma source(%dma_start3A_3 : memref<64xi32, #tpu.memory_space<hbm>>) target(%arg5 : memref<64xi32, #tpu.memory_space<vmem>>) target_semaphore(%arg7 : memref<!tpu.dma_semaphore, #tpu.memory_space<semaphore_mem>>)
    %dma_wait3A = tpu.memref_slice %arg2[%mul3A_2] : memref<2048xi32, #tpu.memory_space<hbm>> -> memref<64xi32, #tpu.memory_space<hbm>>
    %dma_wait3A_4 = tpu.memref_slice %arg2[%mul3A_2] : memref<2048xi32, #tpu.memory_space<hbm>> -> memref<64xi32, #tpu.memory_space<hbm>>
    tpu.wait_dma2 semaphore(%arg7 : memref<!tpu.dma_semaphore, #tpu.memory_space<semaphore_mem>>) src(%dma_wait3A_4 : memref<64xi32, #tpu.memory_space<hbm>>) dst(%arg5 : memref<64xi32, #tpu.memory_space<vmem>>)
    %scan3A = arith.constant 0 : i32
    %scan3A_5 = arith.constant 0 : i32
    %scan3A_6 = arith.constant 4 : i32
    %scan3A_7 = arith.addi %scan3A_5, %scan3A_6 : i32
    %scan3A_8 = arith.constant 1 : i32
    %scan3A_9 = scf.for %scan3A_17 = %scan3A_5 to %scan3A_7 step %scan3A_8 iter_args(%scan3A_18 = %scan3A) -> (i32)  : i32 {
      %mul3A_19 = arith.constant 16 : i32
      %mul3A_20 = arith.muli %scan3A_17, %mul3A_19 : i32
      %get3A = arith.index_cast %mul3A_20 : i32 to index
      %get3A_21 = tpu.vector_load %arg5[%get3A] {strides = array<i32>} : memref<64xi32, #tpu.memory_space<vmem>>, vector<16xi32>,
      %get3A_22 = vector.shape_cast %get3A_21 : vector<16xi32> to vector<16xi32>
      %slice3A = vector.extract_strided_slice %get3A_22 {offsets = [0], sizes = [1], strides = [1]} : vector<16xi32> to vector<1xi32>
      %squeeze3A = vector.extract %slice3A[0] : i32 from vector<1xi32>
      %mul3A_23 = arith.constant 16 : i32
      %mul3A_24 = arith.muli %scan3A_17, %mul3A_23 : i32
      %add3A_25 = arith.constant 0 : i32
      %add3A_26 = arith.addi %mul3A_24, %add3A_25 : i32
      %dma_start3A_27 = arith.constant 0 : i32
      %dma_start3A_28 = tpu.memref_slice %arg6[%add3A_26, %dma_start3A_27] : memref<64x64xf32, #tpu.memory_space<vmem>> -> memref<1x64xf32, #tpu.memory_space<vmem>>
      %dma_start3A_29 = arith.constant 0 : i32
      %dma_start3A_30 = tpu.memref_slice %arg3[%squeeze3A, %dma_start3A_29] : memref<100000x64xf32, #tpu.memory_space<hbm>> -> memref<1x64xf32, #tpu.memory_space<hbm>>
      %dma_start3A_31 = arith.constant 0 : i32
      %dma_start3A_32 = tpu.memref_slice %arg6[%add3A_26, %dma_start3A_31] : memref<64x64xf32, #tpu.memory_space<vmem>> -> memref<1x64xf32, #tpu.memory_space<vmem>>
      %dma_start3A_33 = arith.constant 0 : i32
      %dma_start3A_34 = tpu.memref_slice %arg3[%squeeze3A, %dma_start3A_33] : memref<100000x64xf32, #tpu.memory_space<hbm>> -> memref<1x64xf32, #tpu.memory_space<hbm>>
      tpu.enqueue_dma source(%dma_start3A_34 : memref<1x64xf32, #tpu.memory_space<hbm>>) target(%dma_start3A_32 : memref<1x64xf32, #tpu.memory_space<vmem>>) target_semaphore(%arg8 : memref<!tpu.dma_semaphore, #tpu.memory_space<semaphore_mem>>)
      %slice3A_35 = vector.extract_strided_slice %get3A_22 {offsets = [1], sizes = [1], strides = [1]} : vector<16xi32> to vector<1xi32>
      %squeeze3A_36 = vector.extract %slice3A_35[0] : i32 from vector<1xi32>
      %mul3A_37 = arith.constant 16 : i32
      %mul3A_38 = arith.muli %scan3A_17, %mul3A_37 : i32
      %add3A_39 = arith.constant 1 : i32
      %add3A_40 = arith.addi %mul3A_38, %add3A_39 : i32
      %dma_start3A_41 = arith.constant 0 : i32
      %dma_start3A_42 = tpu.memref_slice %arg6[%add3A_40, %dma_start3A_41] : memref<64x64xf32, #tpu.memory_space<vmem>> -> memref<1x64xf32, #tpu.memory_space<vmem>>
      %dma_start3A_43 = arith.constant 0 : i32
      %dma_start3A_44 = tpu.memref_slice %arg3[%squeeze3A_36, %dma_start3A_43] : memref<100000x64xf32, #tpu.memory_space<hbm>> -> memref<1x64xf32, #tpu.memory_space<hbm>>
      %dma_start3A_45 = arith.constant 0 : i32
      %dma_start3A_46 = tpu.memref_slice %arg6[%add3A_40, %dma_start3A_45] : memref<64x64xf32, #tpu.memory_space<vmem>> -> memref<1x64xf32, #tpu.memory_space<vmem>>
      %dma_start3A_47 = arith.constant 0 : i32
      %dma_start3A_48 = tpu.memref_slice %arg3[%squeeze3A_36, %dma_start3A_47] : memref<100000x64xf32, #tpu.memory_space<hbm>> -> memref<1x64xf32, #tpu.memory_space<hbm>>
      tpu.enqueue_dma source(%dma_start3A_48 : memref<1x64xf32, #tpu.memory_space<hbm>>) target(%dma_start3A_46 : memref<1x64xf32, #tpu.memory_space<vmem>>) target_semaphore(%arg8 : memref<!tpu.dma_semaphore, #tpu.memory_space<semaphore_mem>>)
      %slice3A_49 = vector.extract_strided_slice %get3A_22 {offsets = [2], sizes = [1], strides = [1]} : vector<16xi32> to vector<1xi32>
      %squeeze3A_50 = vector.extract %slice3A_49[0] : i32 from vector<1xi32>
      %mul3A_51 = arith.constant 16 : i32
      %mul3A_52 = arith.muli %scan3A_17, %mul3A_51 : i32
      %add3A_53 = arith.constant 2 : i32
      %add3A_54 = arith.addi %mul3A_52, %add3A_53 : i32
      %dma_start3A_55 = arith.constant 0 : i32
      %dma_start3A_56 = tpu.memref_slice %arg6[%add3A_54, %dma_start3A_55] : memref<64x64xf32, #tpu.memory_space<vmem>> -> memref<1x64xf32, #tpu.memory_space<vmem>>
      %dma_start3A_57 = arith.constant 0 : i32
      %dma_start3A_58 = tpu.memref_slice %arg3[%squeeze3A_50, %dma_start3A_57] : memref<100000x64xf32, #tpu.memory_space<hbm>> -> memref<1x64xf32, #tpu.memory_space<hbm>>
      %dma_start3A_59 = arith.constant 0 : i32
      %dma_start3A_60 = tpu.memref_slice %arg6[%add3A_54, %dma_start3A_59] : memref<64x64xf32, #tpu.memory_space<vmem>> -> memref<1x64xf32, #tpu.memory_space<vmem>>
      %dma_start3A_61 = arith.constant 0 : i32
      %dma_start3A_62 = tpu.memref_slice %arg3[%squeeze3A_50, %dma_start3A_61] : memref<100000x64xf32, #tpu.memory_space<hbm>> -> memref<1x64xf32, #tpu.memory_space<hbm>>
      tpu.enqueue_dma source(%dma_start3A_62 : memref<1x64xf32, #tpu.memory_space<hbm>>) target(%dma_start3A_60 : memref<1x64xf32, #tpu.memory_space<vmem>>) target_semaphore(%arg8 : memref<!tpu.dma_semaphore, #tpu.memory_space<semaphore_mem>>)
      %slice3A_63 = vector.extract_strided_slice %get3A_22 {offsets = [3], sizes = [1], strides = [1]} : vector<16xi32> to vector<1xi32>
      %squeeze3A_64 = vector.extract %slice3A_63[0] : i32 from vector<1xi32>
      %mul3A_65 = arith.constant 16 : i32
      %mul3A_66 = arith.muli %scan3A_17, %mul3A_65 : i32
      %add3A_67 = arith.constant 3 : i32
      %add3A_68 = arith.addi %mul3A_66, %add3A_67 : i32
      %dma_start3A_69 = arith.constant 0 : i32
      %dma_start3A_70 = tpu.memref_slice %arg6[%add3A_68, %dma_start3A_69] : memref<64x64xf32, #tpu.memory_space<vmem>> -> memref<1x64xf32, #tpu.memory_space<vmem>>
      %dma_start3A_71 = arith.constant 0 : i32
      %dma_start3A_72 = tpu.memref_slice %arg3[%squeeze3A_64, %dma_start3A_71] : memref<100000x64xf32, #tpu.memory_space<hbm>> -> memref<1x64xf32, #tpu.memory_space<hbm>>
      %dma_start3A_73 = arith.constant 0 : i32
      %dma_start3A_74 = tpu.memref_slice %arg6[%add3A_68, %dma_start3A_73] : memref<64x64xf32, #tpu.memory_space<vmem>> -> memref<1x64xf32, #tpu.memory_space<vmem>>
      %dma_start3A_75 = arith.constant 0 : i32
      %dma_start3A_76 = tpu.memref_slice %arg3[%squeeze3A_64, %dma_start3A_75] : memref<100000x64xf32, #tpu.memory_space<hbm>> -> memref<1x64xf32, #tpu.memory_space<hbm>>
      tpu.enqueue_dma source(%dma_start3A_76 : memref<1x64xf32, #tpu.memory_space<hbm>>) target(%dma_start3A_74 : memref<1x64xf32, #tpu.memory_space<vmem>>) target_semaphore(%arg8 : memref<!tpu.dma_semaphore, #tpu.memory_space<semaphore_mem>>)
      %slice3A_77 = vector.extract_strided_slice %get3A_22 {offsets = [4], sizes = [1], strides = [1]} : vector<16xi32> to vector<1xi32>
      %squeeze3A_78 = vector.extract %slice3A_77[0] : i32 from vector<1xi32>
      %mul3A_79 = arith.constant 16 : i32
      %mul3A_80 = arith.muli %scan3A_17, %mul3A_79 : i32
      %add3A_81 = arith.constant 4 : i32
      %add3A_82 = arith.addi %mul3A_80, %add3A_81 : i32
      %dma_start3A_83 = arith.constant 0 : i32
      %dma_start3A_84 = tpu.memref_slice %arg6[%add3A_82, %dma_start3A_83] : memref<64x64xf32, #tpu.memory_space<vmem>> -> memref<1x64xf32, #tpu.memory_space<vmem>>
      %dma_start3A_85 = arith.constant 0 : i32
      %dma_start3A_86 = tpu.memref_slice %arg3[%squeeze3A_78, %dma_start3A_85] : memref<100000x64xf32, #tpu.memory_space<hbm>> -> memref<1x64xf32, #tpu.memory_space<hbm>>
      %dma_start3A_87 = arith.constant 0 : i32
      %dma_start3A_88 = tpu.memref_slice %arg6[%add3A_82, %dma_start3A_87] : memref<64x64xf32, #tpu.memory_space<vmem>> -> memref<1x64xf32, #tpu.memory_space<vmem>>
      %dma_start3A_89 = arith.constant 0 : i32
      %dma_start3A_90 = tpu.memref_slice %arg3[%squeeze3A_78, %dma_start3A_89] : memref<100000x64xf32, #tpu.memory_space<hbm>> -> memref<1x64xf32, #tpu.memory_space<hbm>>
      tpu.enqueue_dma source(%dma_start3A_90 : memref<1x64xf32, #tpu.memory_space<hbm>>) target(%dma_start3A_88 : memref<1x64xf32, #tpu.memory_space<vmem>>) target_semaphore(%arg8 : memref<!tpu.dma_semaphore, #tpu.memory_space<semaphore_mem>>)
      %slice3A_91 = vector.extract_strided_slice %get3A_22 {offsets = [5], sizes = [1], strides = [1]} : vector<16xi32> to vector<1xi32>
      %squeeze3A_92 = vector.extract %slice3A_91[0] : i32 from vector<1xi32>
      %mul3A_93 = arith.constant 16 : i32
      %mul3A_94 = arith.muli %scan3A_17, %mul3A_93 : i32
      %add3A_95 = arith.constant 5 : i32
      %add3A_96 = arith.addi %mul3A_94, %add3A_95 : i32
      %dma_start3A_97 = arith.constant 0 : i32
      %dma_start3A_98 = tpu.memref_slice %arg6[%add3A_96, %dma_start3A_97] : memref<64x64xf32, #tpu.memory_space<vmem>> -> memref<1x64xf32, #tpu.memory_space<vmem>>
      %dma_start3A_99 = arith.constant 0 : i32
      %dma_start3A_100 = tpu.memref_slice %arg3[%squeeze3A_92, %dma_start3A_99] : memref<100000x64xf32, #tpu.memory_space<hbm>> -> memref<1x64xf32, #tpu.memory_space<hbm>>
      %dma_start3A_101 = arith.constant 0 : i32
      %dma_start3A_102 = tpu.memref_slice %arg6[%add3A_96, %dma_start3A_101] : memref<64x64xf32, #tpu.memory_space<vmem>> -> memref<1x64xf32, #tpu.memory_space<vmem>>
      %dma_start3A_103 = arith.constant 0 : i32
      %dma_start3A_104 = tpu.memref_slice %arg3[%squeeze3A_92, %dma_start3A_103] : memref<100000x64xf32, #tpu.memory_space<hbm>> -> memref<1x64xf32, #tpu.memory_space<hbm>>
      tpu.enqueue_dma source(%dma_start3A_104 : memref<1x64xf32, #tpu.memory_space<hbm>>) target(%dma_start3A_102 : memref<1x64xf32, #tpu.memory_space<vmem>>) target_semaphore(%arg8 : memref<!tpu.dma_semaphore, #tpu.memory_space<semaphore_mem>>)
      %slice3A_105 = vector.extract_strided_slice %get3A_22 {offsets = [6], sizes = [1], strides = [1]} : vector<16xi32> to vector<1xi32>
      %squeeze3A_106 = vector.extract %slice3A_105[0] : i32 from vector<1xi32>
      %mul3A_107 = arith.constant 16 : i32
      %mul3A_108 = arith.muli %scan3A_17, %mul3A_107 : i32
      %add3A_109 = arith.constant 6 : i32
      %add3A_110 = arith.addi %mul3A_108, %add3A_109 : i32
      %dma_start3A_111 = arith.constant 0 : i32
      %dma_start3A_112 = tpu.memref_slice %arg6[%add3A_110, %dma_start3A_111] : memref<64x64xf32, #tpu.memory_space<vmem>> -> memref<1x64xf32, #tpu.memory_space<vmem>>
      %dma_start3A_113 = arith.constant 0 : i32
      %dma_start3A_114 = tpu.memref_slice %arg3[%squeeze3A_106, %dma_start3A_113] : memref<100000x64xf32, #tpu.memory_space<hbm>> -> memref<1x64xf32, #tpu.memory_space<hbm>>
      %dma_start3A_115 = arith.constant 0 : i32
      %dma_start3A_116 = tpu.memref_slice %arg6[%add3A_110, %dma_start3A_115] : memref<64x64xf32, #tpu.memory_space<vmem>> -> memref<1x64xf32, #tpu.memory_space<vmem>>
      %dma_start3A_117 = arith.constant 0 : i32
      %dma_start3A_118 = tpu.memref_slice %arg3[%squeeze3A_106, %dma_start3A_117] : memref<100000x64xf32, #tpu.memory_space<hbm>> -> memref<1x64xf32, #tpu.memory_space<hbm>>
      tpu.enqueue_dma source(%dma_start3A_118 : memref<1x64xf32, #tpu.memory_space<hbm>>) target(%dma_start3A_116 : memref<1x64xf32, #tpu.memory_space<vmem>>) target_semaphore(%arg8 : memref<!tpu.dma_semaphore, #tpu.memory_space<semaphore_mem>>)
      %slice3A_119 = vector.extract_strided_slice %get3A_22 {offsets = [7], sizes = [1], strides = [1]} : vector<16xi32> to vector<1xi32>
      %squeeze3A_120 = vector.extract %slice3A_119[0] : i32 from vector<1xi32>
      %mul3A_121 = arith.constant 16 : i32
      %mul3A_122 = arith.muli %scan3A_17, %mul3A_121 : i32
      %add3A_123 = arith.constant 7 : i32
      %add3A_124 = arith.addi %mul3A_122, %add3A_123 : i32
      %dma_start3A_125 = arith.constant 0 : i32
      %dma_start3A_126 = tpu.memref_slice %arg6[%add3A_124, %dma_start3A_125] : memref<64x64xf32, #tpu.memory_space<vmem>> -> memref<1x64xf32, #tpu.memory_space<vmem>>
      %dma_start3A_127 = arith.constant 0 : i32
      %dma_start3A_128 = tpu.memref_slice %arg3[%squeeze3A_120, %dma_start3A_127] : memref<100000x64xf32, #tpu.memory_space<hbm>> -> memref<1x64xf32, #tpu.memory_space<hbm>>
      %dma_start3A_129 = arith.constant 0 : i32
      %dma_start3A_130 = tpu.memref_slice %arg6[%add3A_124, %dma_start3A_129] : memref<64x64xf32, #tpu.memory_space<vmem>> -> memref<1x64xf32, #tpu.memory_space<vmem>>
      %dma_start3A_131 = arith.constant 0 : i32
      %dma_start3A_132 = tpu.memref_slice %arg3[%squeeze3A_120, %dma_start3A_131] : memref<100000x64xf32, #tpu.memory_space<hbm>> -> memref<1x64xf32, #tpu.memory_space<hbm>>
      tpu.enqueue_dma source(%dma_start3A_132 : memref<1x64xf32, #tpu.memory_space<hbm>>) target(%dma_start3A_130 : memref<1x64xf32, #tpu.memory_space<vmem>>) target_semaphore(%arg8 : memref<!tpu.dma_semaphore, #tpu.memory_space<semaphore_mem>>)
      %slice3A_133 = vector.extract_strided_slice %get3A_22 {offsets = [8], sizes = [1], strides = [1]} : vector<16xi32> to vector<1xi32>
      %squeeze3A_134 = vector.extract %slice3A_133[0] : i32 from vector<1xi32>
      %mul3A_135 = arith.constant 16 : i32
      %mul3A_136 = arith.muli %scan3A_17, %mul3A_135 : i32
      %add3A_137 = arith.constant 8 : i32
      %add3A_138 = arith.addi %mul3A_136, %add3A_137 : i32
      %dma_start3A_139 = arith.constant 0 : i32
      %dma_start3A_140 = tpu.memref_slice %arg6[%add3A_138, %dma_start3A_139] : memref<64x64xf32, #tpu.memory_space<vmem>> -> memref<1x64xf32, #tpu.memory_space<vmem>>
      %dma_start3A_141 = arith.constant 0 : i32
      %dma_start3A_142 = tpu.memref_slice %arg3[%squeeze3A_134, %dma_start3A_141] : memref<100000x64xf32, #tpu.memory_space<hbm>> -> memref<1x64xf32, #tpu.memory_space<hbm>>
      %dma_start3A_143 = arith.constant 0 : i32
      %dma_start3A_144 = tpu.memref_slice %arg6[%add3A_138, %dma_start3A_143] : memref<64x64xf32, #tpu.memory_space<vmem>> -> memref<1x64xf32, #tpu.memory_space<vmem>>
      %dma_start3A_145 = arith.constant 0 : i32
      %dma_start3A_146 = tpu.memref_slice %arg3[%squeeze3A_134, %dma_start3A_145] : memref<100000x64xf32, #tpu.memory_space<hbm>> -> memref<1x64xf32, #tpu.memory_space<hbm>>
      tpu.enqueue_dma source(%dma_start3A_146 : memref<1x64xf32, #tpu.memory_space<hbm>>) target(%dma_start3A_144 : memref<1x64xf32, #tpu.memory_space<vmem>>) target_semaphore(%arg8 : memref<!tpu.dma_semaphore, #tpu.memory_space<semaphore_mem>>)
      %slice3A_147 = vector.extract_strided_slice %get3A_22 {offsets = [9], sizes = [1], strides = [1]} : vector<16xi32> to vector<1xi32>
      %squeeze3A_148 = vector.extract %slice3A_147[0] : i32 from vector<1xi32>
      %mul3A_149 = arith.constant 16 : i32
      %mul3A_150 = arith.muli %scan3A_17, %mul3A_149 : i32
      %add3A_151 = arith.constant 9 : i32
      %add3A_152 = arith.addi %mul3A_150, %add3A_151 : i32
      %dma_start3A_153 = arith.constant 0 : i32
      %dma_start3A_154 = tpu.memref_slice %arg6[%add3A_152, %dma_start3A_153] : memref<64x64xf32, #tpu.memory_space<vmem>> -> memref<1x64xf32, #tpu.memory_space<vmem>>
      %dma_start3A_155 = arith.constant 0 : i32
      %dma_start3A_156 = tpu.memref_slice %arg3[%squeeze3A_148, %dma_start3A_155] : memref<100000x64xf32, #tpu.memory_space<hbm>> -> memref<1x64xf32, #tpu.memory_space<hbm>>
      %dma_start3A_157 = arith.constant 0 : i32
      %dma_start3A_158 = tpu.memref_slice %arg6[%add3A_152, %dma_start3A_157] : memref<64x64xf32, #tpu.memory_space<vmem>> -> memref<1x64xf32, #tpu.memory_space<vmem>>
      %dma_start3A_159 = arith.constant 0 : i32
      %dma_start3A_160 = tpu.memref_slice %arg3[%squeeze3A_148, %dma_start3A_159] : memref<100000x64xf32, #tpu.memory_space<hbm>> -> memref<1x64xf32, #tpu.memory_space<hbm>>
      tpu.enqueue_dma source(%dma_start3A_160 : memref<1x64xf32, #tpu.memory_space<hbm>>) target(%dma_start3A_158 : memref<1x64xf32, #tpu.memory_space<vmem>>) target_semaphore(%arg8 : memref<!tpu.dma_semaphore, #tpu.memory_space<semaphore_mem>>)
      %slice3A_161 = vector.extract_strided_slice %get3A_22 {offsets = [10], sizes = [1], strides = [1]} : vector<16xi32> to vector<1xi32>
      %squeeze3A_162 = vector.extract %slice3A_161[0] : i32 from vector<1xi32>
      %mul3A_163 = arith.constant 16 : i32
      %mul3A_164 = arith.muli %scan3A_17, %mul3A_163 : i32
      %add3A_165 = arith.constant 10 : i32
      %add3A_166 = arith.addi %mul3A_164, %add3A_165 : i32
      %dma_start3A_167 = arith.constant 0 : i32
      %dma_start3A_168 = tpu.memref_slice %arg6[%add3A_166, %dma_start3A_167] : memref<64x64xf32, #tpu.memory_space<vmem>> -> memref<1x64xf32, #tpu.memory_space<vmem>>
      %dma_start3A_169 = arith.constant 0 : i32
      %dma_start3A_170 = tpu.memref_slice %arg3[%squeeze3A_162, %dma_start3A_169] : memref<100000x64xf32, #tpu.memory_space<hbm>> -> memref<1x64xf32, #tpu.memory_space<hbm>>
      %dma_start3A_171 = arith.constant 0 : i32
      %dma_start3A_172 = tpu.memref_slice %arg6[%add3A_166, %dma_start3A_171] : memref<64x64xf32, #tpu.memory_space<vmem>> -> memref<1x64xf32, #tpu.memory_space<vmem>>
      %dma_start3A_173 = arith.constant 0 : i32
      %dma_start3A_174 = tpu.memref_slice %arg3[%squeeze3A_162, %dma_start3A_173] : memref<100000x64xf32, #tpu.memory_space<hbm>> -> memref<1x64xf32, #tpu.memory_space<hbm>>
      tpu.enqueue_dma source(%dma_start3A_174 : memref<1x64xf32, #tpu.memory_space<hbm>>) target(%dma_start3A_172 : memref<1x64xf32, #tpu.memory_space<vmem>>) target_semaphore(%arg8 : memref<!tpu.dma_semaphore, #tpu.memory_space<semaphore_mem>>)
      %slice3A_175 = vector.extract_strided_slice %get3A_22 {offsets = [11], sizes = [1], strides = [1]} : vector<16xi32> to vector<1xi32>
      %squeeze3A_176 = vector.extract %slice3A_175[0] : i32 from vector<1xi32>
      %mul3A_177 = arith.constant 16 : i32
      %mul3A_178 = arith.muli %scan3A_17, %mul3A_177 : i32
      %add3A_179 = arith.constant 11 : i32
      %add3A_180 = arith.addi %mul3A_178, %add3A_179 : i32
      %dma_start3A_181 = arith.constant 0 : i32
      %dma_start3A_182 = tpu.memref_slice %arg6[%add3A_180, %dma_start3A_181] : memref<64x64xf32, #tpu.memory_space<vmem>> -> memref<1x64xf32, #tpu.memory_space<vmem>>
      %dma_start3A_183 = arith.constant 0 : i32
      %dma_start3A_184 = tpu.memref_slice %arg3[%squeeze3A_176, %dma_start3A_183] : memref<100000x64xf32, #tpu.memory_space<hbm>> -> memref<1x64xf32, #tpu.memory_space<hbm>>
      %dma_start3A_185 = arith.constant 0 : i32
      %dma_start3A_186 = tpu.memref_slice %arg6[%add3A_180, %dma_start3A_185] : memref<64x64xf32, #tpu.memory_space<vmem>> -> memref<1x64xf32, #tpu.memory_space<vmem>>
      %dma_start3A_187 = arith.constant 0 : i32
      %dma_start3A_188 = tpu.memref_slice %arg3[%squeeze3A_176, %dma_start3A_187] : memref<100000x64xf32, #tpu.memory_space<hbm>> -> memref<1x64xf32, #tpu.memory_space<hbm>>
      tpu.enqueue_dma source(%dma_start3A_188 : memref<1x64xf32, #tpu.memory_space<hbm>>) target(%dma_start3A_186 : memref<1x64xf32, #tpu.memory_space<vmem>>) target_semaphore(%arg8 : memref<!tpu.dma_semaphore, #tpu.memory_space<semaphore_mem>>)
      %slice3A_189 = vector.extract_strided_slice %get3A_22 {offsets = [12], sizes = [1], strides = [1]} : vector<16xi32> to vector<1xi32>
      %squeeze3A_190 = vector.extract %slice3A_189[0] : i32 from vector<1xi32>
      %mul3A_191 = arith.constant 16 : i32
      %mul3A_192 = arith.muli %scan3A_17, %mul3A_191 : i32
      %add3A_193 = arith.constant 12 : i32
      %add3A_194 = arith.addi %mul3A_192, %add3A_193 : i32
      %dma_start3A_195 = arith.constant 0 : i32
      %dma_start3A_196 = tpu.memref_slice %arg6[%add3A_194, %dma_start3A_195] : memref<64x64xf32, #tpu.memory_space<vmem>> -> memref<1x64xf32, #tpu.memory_space<vmem>>
      %dma_start3A_197 = arith.constant 0 : i32
      %dma_start3A_198 = tpu.memref_slice %arg3[%squeeze3A_190, %dma_start3A_197] : memref<100000x64xf32, #tpu.memory_space<hbm>> -> memref<1x64xf32, #tpu.memory_space<hbm>>
      %dma_start3A_199 = arith.constant 0 : i32
      %dma_start3A_200 = tpu.memref_slice %arg6[%add3A_194, %dma_start3A_199] : memref<64x64xf32, #tpu.memory_space<vmem>> -> memref<1x64xf32, #tpu.memory_space<vmem>>
      %dma_start3A_201 = arith.constant 0 : i32
      %dma_start3A_202 = tpu.memref_slice %arg3[%squeeze3A_190, %dma_start3A_201] : memref<100000x64xf32, #tpu.memory_space<hbm>> -> memref<1x64xf32, #tpu.memory_space<hbm>>
      tpu.enqueue_dma source(%dma_start3A_202 : memref<1x64xf32, #tpu.memory_space<hbm>>) target(%dma_start3A_200 : memref<1x64xf32, #tpu.memory_space<vmem>>) target_semaphore(%arg8 : memref<!tpu.dma_semaphore, #tpu.memory_space<semaphore_mem>>)
      %slice3A_203 = vector.extract_strided_slice %get3A_22 {offsets = [13], sizes = [1], strides = [1]} : vector<16xi32> to vector<1xi32>
      %squeeze3A_204 = vector.extract %slice3A_203[0] : i32 from vector<1xi32>
      %mul3A_205 = arith.constant 16 : i32
      %mul3A_206 = arith.muli %scan3A_17, %mul3A_205 : i32
      %add3A_207 = arith.constant 13 : i32
      %add3A_208 = arith.addi %mul3A_206, %add3A_207 : i32
      %dma_start3A_209 = arith.constant 0 : i32
      %dma_start3A_210 = tpu.memref_slice %arg6[%add3A_208, %dma_start3A_209] : memref<64x64xf32, #tpu.memory_space<vmem>> -> memref<1x64xf32, #tpu.memory_space<vmem>>
      %dma_start3A_211 = arith.constant 0 : i32
      %dma_start3A_212 = tpu.memref_slice %arg3[%squeeze3A_204, %dma_start3A_211] : memref<100000x64xf32, #tpu.memory_space<hbm>> -> memref<1x64xf32, #tpu.memory_space<hbm>>
      %dma_start3A_213 = arith.constant 0 : i32
      %dma_start3A_214 = tpu.memref_slice %arg6[%add3A_208, %dma_start3A_213] : memref<64x64xf32, #tpu.memory_space<vmem>> -> memref<1x64xf32, #tpu.memory_space<vmem>>
      %dma_start3A_215 = arith.constant 0 : i32
      %dma_start3A_216 = tpu.memref_slice %arg3[%squeeze3A_204, %dma_start3A_215] : memref<100000x64xf32, #tpu.memory_space<hbm>> -> memref<1x64xf32, #tpu.memory_space<hbm>>
      tpu.enqueue_dma source(%dma_start3A_216 : memref<1x64xf32, #tpu.memory_space<hbm>>) target(%dma_start3A_214 : memref<1x64xf32, #tpu.memory_space<vmem>>) target_semaphore(%arg8 : memref<!tpu.dma_semaphore, #tpu.memory_space<semaphore_mem>>)
      %slice3A_217 = vector.extract_strided_slice %get3A_22 {offsets = [14], sizes = [1], strides = [1]} : vector<16xi32> to vector<1xi32>
      %squeeze3A_218 = vector.extract %slice3A_217[0] : i32 from vector<1xi32>
      %mul3A_219 = arith.constant 16 : i32
      %mul3A_220 = arith.muli %scan3A_17, %mul3A_219 : i32
      %add3A_221 = arith.constant 14 : i32
      %add3A_222 = arith.addi %mul3A_220, %add3A_221 : i32
      %dma_start3A_223 = arith.constant 0 : i32
      %dma_start3A_224 = tpu.memref_slice %arg6[%add3A_222, %dma_start3A_223] : memref<64x64xf32, #tpu.memory_space<vmem>> -> memref<1x64xf32, #tpu.memory_space<vmem>>
      %dma_start3A_225 = arith.constant 0 : i32
      %dma_start3A_226 = tpu.memref_slice %arg3[%squeeze3A_218, %dma_start3A_225] : memref<100000x64xf32, #tpu.memory_space<hbm>> -> memref<1x64xf32, #tpu.memory_space<hbm>>
      %dma_start3A_227 = arith.constant 0 : i32
      %dma_start3A_228 = tpu.memref_slice %arg6[%add3A_222, %dma_start3A_227] : memref<64x64xf32, #tpu.memory_space<vmem>> -> memref<1x64xf32, #tpu.memory_space<vmem>>
      %dma_start3A_229 = arith.constant 0 : i32
      %dma_start3A_230 = tpu.memref_slice %arg3[%squeeze3A_218, %dma_start3A_229] : memref<100000x64xf32, #tpu.memory_space<hbm>> -> memref<1x64xf32, #tpu.memory_space<hbm>>
      tpu.enqueue_dma source(%dma_start3A_230 : memref<1x64xf32, #tpu.memory_space<hbm>>) target(%dma_start3A_228 : memref<1x64xf32, #tpu.memory_space<vmem>>) target_semaphore(%arg8 : memref<!tpu.dma_semaphore, #tpu.memory_space<semaphore_mem>>)
      %slice3A_231 = vector.extract_strided_slice %get3A_22 {offsets = [15], sizes = [1], strides = [1]} : vector<16xi32> to vector<1xi32>
      %squeeze3A_232 = vector.extract %slice3A_231[0] : i32 from vector<1xi32>
      %mul3A_233 = arith.constant 16 : i32
      %mul3A_234 = arith.muli %scan3A_17, %mul3A_233 : i32
      %add3A_235 = arith.constant 15 : i32
      %add3A_236 = arith.addi %mul3A_234, %add3A_235 : i32
      %dma_start3A_237 = arith.constant 0 : i32
      %dma_start3A_238 = tpu.memref_slice %arg6[%add3A_236, %dma_start3A_237] : memref<64x64xf32, #tpu.memory_space<vmem>> -> memref<1x64xf32, #tpu.memory_space<vmem>>
      %dma_start3A_239 = arith.constant 0 : i32
      %dma_start3A_240 = tpu.memref_slice %arg3[%squeeze3A_232, %dma_start3A_239] : memref<100000x64xf32, #tpu.memory_space<hbm>> -> memref<1x64xf32, #tpu.memory_space<hbm>>
      %dma_start3A_241 = arith.constant 0 : i32
      %dma_start3A_242 = tpu.memref_slice %arg6[%add3A_236, %dma_start3A_241] : memref<64x64xf32, #tpu.memory_space<vmem>> -> memref<1x64xf32, #tpu.memory_space<vmem>>
      %dma_start3A_243 = arith.constant 0 : i32
      %dma_start3A_244 = tpu.memref_slice %arg3[%squeeze3A_232, %dma_start3A_243] : memref<100000x64xf32, #tpu.memory_space<hbm>> -> memref<1x64xf32, #tpu.memory_space<hbm>>
      tpu.enqueue_dma source(%dma_start3A_244 : memref<1x64xf32, #tpu.memory_space<hbm>>) target(%dma_start3A_242 : memref<1x64xf32, #tpu.memory_space<vmem>>) target_semaphore(%arg8 : memref<!tpu.dma_semaphore, #tpu.memory_space<semaphore_mem>>)
      %scan3A_245 = arith.constant 0 : i32
      scf.yield %scan3A_245 : i32
    }
    %scan3A_10 = arith.constant 4 : i32
    %dma_wait3A_11 = arith.constant 0 : i32
    %dma_wait3A_12 = arith.constant 0 : i32
    %dma_wait3A_13 = tpu.memref_slice %arg3[%dma_wait3A_11, %dma_wait3A_12] : memref<100000x64xf32, #tpu.memory_space<hbm>> -> memref<64x64xf32, #tpu.memory_space<hbm>>
    %dma_wait3A_14 = arith.constant 0 : i32
    %dma_wait3A_15 = arith.constant 0 : i32
    %dma_wait3A_16 = tpu.memref_slice %arg3[%dma_wait3A_14, %dma_wait3A_15] : memref<100000x64xf32, #tpu.memory_space<hbm>> -> memref<64x64xf32, #tpu.memory_space<hbm>>
    tpu.wait_dma2 semaphore(%arg8 : memref<!tpu.dma_semaphore, #tpu.memory_space<semaphore_mem>>) src(%dma_wait3A_16 : memref<64x64xf32, #tpu.memory_space<hbm>>) dst(%arg6 : memref<64x64xf32, #tpu.memory_space<vmem>>)
    "tpu.region"() ({
      %run_scoped3A = tpu.sem_alloc : memref<!tpu.dma_semaphore, #tpu.memory_space<semaphore_mem>>
      %dma_start3A_17 = arith.constant 0 : i32
      %dma_start3A_18 = tpu.memref_slice %arg4[%mul3A_2, %dma_start3A_17] : memref<2048x64xf32, #tpu.memory_space<hbm>> -> memref<64x64xf32, #tpu.memory_space<hbm>>
      %dma_start3A_19 = arith.constant 0 : i32
      %dma_start3A_20 = tpu.memref_slice %arg4[%mul3A_2, %dma_start3A_19] : memref<2048x64xf32, #tpu.memory_space<hbm>> -> memref<64x64xf32, #tpu.memory_space<hbm>>
      tpu.enqueue_dma source(%arg6 : memref<64x64xf32, #tpu.memory_space<vmem>>) target(%dma_start3A_20 : memref<64x64xf32, #tpu.memory_space<hbm>>) target_semaphore(%run_scoped3A : memref<!tpu.dma_semaphore, #tpu.memory_space<semaphore_mem>>)
      %dma_wait3A_21 = arith.constant 0 : i32
      %dma_wait3A_22 = tpu.memref_slice %arg4[%mul3A_2, %dma_wait3A_21] : memref<2048x64xf32, #tpu.memory_space<hbm>> -> memref<64x64xf32, #tpu.memory_space<hbm>>
      %dma_wait3A_23 = arith.constant 0 : i32
      %dma_wait3A_24 = tpu.memref_slice %arg4[%mul3A_2, %dma_wait3A_23] : memref<2048x64xf32, #tpu.memory_space<hbm>> -> memref<64x64xf32, #tpu.memory_space<hbm>>
      tpu.wait_dma2 semaphore(%run_scoped3A : memref<!tpu.dma_semaphore, #tpu.memory_space<semaphore_mem>>) src(%arg6 : memref<64x64xf32, #tpu.memory_space<vmem>>) dst(%dma_wait3A_24 : memref<64x64xf32, #tpu.memory_space<hbm>>)
      tpu.yield
    }) : () -> ()
    return
  }
}

module attributes {stable_mosaic.version = 14 : i64} {
  func.func @_tc_body(%arg0: i32, %arg1: memref<2048xi32, #tpu.memory_space<smem>>, %arg2: memref<100000x64xf32, #tpu.memory_space<any>>, %arg3: memref<64x2048xf32, #tpu.memory_space<vmem>>, %arg4: memref<2048x64xf32, #tpu.memory_space<vmem>>, %arg5: memref<!tpu.dma_semaphore, #tpu.memory_space<semaphore_mem>>) attributes {dimension_semantics = [#tpu.dimension_semantics<arbitrary>], iteration_bounds = array<i64: 1>, scalar_prefetch = 1 : i64, scratch_operands = 2 : i64, tpu.core_type = #tpu.core_type<tc>, window_params = [{}, {pipeline_mode = #tpu.pipeline_mode<synchronous>, transform_indices = @transform_1, window_bounds = array<i64: 64, 2048>}]} {
    %scan3A = arith.constant 0 : i32
    %scan3A_0 = arith.constant 256 : i32
    %scan3A_1 = arith.addi %scan3A, %scan3A_0 : i32
    %scan3A_2 = arith.constant 1 : i32
    scf.for %scan3A_16 = %scan3A to %scan3A_1 step %scan3A_2  : i32 {
      %mul3A_17 = arith.constant 8 : i32
      %mul3A_18 = arith.muli %scan3A_16, %mul3A_17 : i32
      %add3A = arith.constant 0 : i32
      %add3A_19 = arith.addi %mul3A_18, %add3A : i32
      %get3A_20 = arith.index_cast %add3A_19 : i32 to index
      %get3A_21 = memref.load %arg1[%get3A_20] : memref<2048xi32, #tpu.memory_space<smem>>
      %dma_start3A = arith.constant 0 : i32
      %dma_start3A_22 = tpu.memref_slice %arg4[%add3A_19, %dma_start3A] : memref<2048x64xf32, #tpu.memory_space<vmem>> -> memref<1x64xf32, #tpu.memory_space<vmem>>
      %dma_start3A_23 = arith.constant 0 : i32
      %dma_start3A_24 = tpu.memref_slice %arg2[%get3A_21, %dma_start3A_23] : memref<100000x64xf32, #tpu.memory_space<any>> -> memref<1x64xf32, #tpu.memory_space<any>>
      tpu.enqueue_dma source(%dma_start3A_24 : memref<1x64xf32, #tpu.memory_space<any>>) target(%dma_start3A_22 : memref<1x64xf32, #tpu.memory_space<vmem>>) target_semaphore(%arg5 : memref<!tpu.dma_semaphore, #tpu.memory_space<semaphore_mem>>)
      %mul3A_25 = arith.constant 8 : i32
      %mul3A_26 = arith.muli %scan3A_16, %mul3A_25 : i32
      %add3A_27 = arith.constant 1 : i32
      %add3A_28 = arith.addi %mul3A_26, %add3A_27 : i32
      %get3A_29 = arith.index_cast %add3A_28 : i32 to index
      %get3A_30 = memref.load %arg1[%get3A_29] : memref<2048xi32, #tpu.memory_space<smem>>
      %dma_start3A_31 = arith.constant 0 : i32
      %dma_start3A_32 = tpu.memref_slice %arg4[%add3A_28, %dma_start3A_31] : memref<2048x64xf32, #tpu.memory_space<vmem>> -> memref<1x64xf32, #tpu.memory_space<vmem>>
      %dma_start3A_33 = arith.constant 0 : i32
      %dma_start3A_34 = tpu.memref_slice %arg2[%get3A_30, %dma_start3A_33] : memref<100000x64xf32, #tpu.memory_space<any>> -> memref<1x64xf32, #tpu.memory_space<any>>
      tpu.enqueue_dma source(%dma_start3A_34 : memref<1x64xf32, #tpu.memory_space<any>>) target(%dma_start3A_32 : memref<1x64xf32, #tpu.memory_space<vmem>>) target_semaphore(%arg5 : memref<!tpu.dma_semaphore, #tpu.memory_space<semaphore_mem>>)
      %mul3A_35 = arith.constant 8 : i32
      %mul3A_36 = arith.muli %scan3A_16, %mul3A_35 : i32
      %add3A_37 = arith.constant 2 : i32
      %add3A_38 = arith.addi %mul3A_36, %add3A_37 : i32
      %get3A_39 = arith.index_cast %add3A_38 : i32 to index
      %get3A_40 = memref.load %arg1[%get3A_39] : memref<2048xi32, #tpu.memory_space<smem>>
      %dma_start3A_41 = arith.constant 0 : i32
      %dma_start3A_42 = tpu.memref_slice %arg4[%add3A_38, %dma_start3A_41] : memref<2048x64xf32, #tpu.memory_space<vmem>> -> memref<1x64xf32, #tpu.memory_space<vmem>>
      %dma_start3A_43 = arith.constant 0 : i32
      %dma_start3A_44 = tpu.memref_slice %arg2[%get3A_40, %dma_start3A_43] : memref<100000x64xf32, #tpu.memory_space<any>> -> memref<1x64xf32, #tpu.memory_space<any>>
      tpu.enqueue_dma source(%dma_start3A_44 : memref<1x64xf32, #tpu.memory_space<any>>) target(%dma_start3A_42 : memref<1x64xf32, #tpu.memory_space<vmem>>) target_semaphore(%arg5 : memref<!tpu.dma_semaphore, #tpu.memory_space<semaphore_mem>>)
      %mul3A_45 = arith.constant 8 : i32
      %mul3A_46 = arith.muli %scan3A_16, %mul3A_45 : i32
      %add3A_47 = arith.constant 3 : i32
      %add3A_48 = arith.addi %mul3A_46, %add3A_47 : i32
      %get3A_49 = arith.index_cast %add3A_48 : i32 to index
      %get3A_50 = memref.load %arg1[%get3A_49] : memref<2048xi32, #tpu.memory_space<smem>>
      %dma_start3A_51 = arith.constant 0 : i32
      %dma_start3A_52 = tpu.memref_slice %arg4[%add3A_48, %dma_start3A_51] : memref<2048x64xf32, #tpu.memory_space<vmem>> -> memref<1x64xf32, #tpu.memory_space<vmem>>
      %dma_start3A_53 = arith.constant 0 : i32
      %dma_start3A_54 = tpu.memref_slice %arg2[%get3A_50, %dma_start3A_53] : memref<100000x64xf32, #tpu.memory_space<any>> -> memref<1x64xf32, #tpu.memory_space<any>>
      tpu.enqueue_dma source(%dma_start3A_54 : memref<1x64xf32, #tpu.memory_space<any>>) target(%dma_start3A_52 : memref<1x64xf32, #tpu.memory_space<vmem>>) target_semaphore(%arg5 : memref<!tpu.dma_semaphore, #tpu.memory_space<semaphore_mem>>)
      %mul3A_55 = arith.constant 8 : i32
      %mul3A_56 = arith.muli %scan3A_16, %mul3A_55 : i32
      %add3A_57 = arith.constant 4 : i32
      %add3A_58 = arith.addi %mul3A_56, %add3A_57 : i32
      %get3A_59 = arith.index_cast %add3A_58 : i32 to index
      %get3A_60 = memref.load %arg1[%get3A_59] : memref<2048xi32, #tpu.memory_space<smem>>
      %dma_start3A_61 = arith.constant 0 : i32
      %dma_start3A_62 = tpu.memref_slice %arg4[%add3A_58, %dma_start3A_61] : memref<2048x64xf32, #tpu.memory_space<vmem>> -> memref<1x64xf32, #tpu.memory_space<vmem>>
      %dma_start3A_63 = arith.constant 0 : i32
      %dma_start3A_64 = tpu.memref_slice %arg2[%get3A_60, %dma_start3A_63] : memref<100000x64xf32, #tpu.memory_space<any>> -> memref<1x64xf32, #tpu.memory_space<any>>
      tpu.enqueue_dma source(%dma_start3A_64 : memref<1x64xf32, #tpu.memory_space<any>>) target(%dma_start3A_62 : memref<1x64xf32, #tpu.memory_space<vmem>>) target_semaphore(%arg5 : memref<!tpu.dma_semaphore, #tpu.memory_space<semaphore_mem>>)
      %mul3A_65 = arith.constant 8 : i32
      %mul3A_66 = arith.muli %scan3A_16, %mul3A_65 : i32
      %add3A_67 = arith.constant 5 : i32
      %add3A_68 = arith.addi %mul3A_66, %add3A_67 : i32
      %get3A_69 = arith.index_cast %add3A_68 : i32 to index
      %get3A_70 = memref.load %arg1[%get3A_69] : memref<2048xi32, #tpu.memory_space<smem>>
      %dma_start3A_71 = arith.constant 0 : i32
      %dma_start3A_72 = tpu.memref_slice %arg4[%add3A_68, %dma_start3A_71] : memref<2048x64xf32, #tpu.memory_space<vmem>> -> memref<1x64xf32, #tpu.memory_space<vmem>>
      %dma_start3A_73 = arith.constant 0 : i32
      %dma_start3A_74 = tpu.memref_slice %arg2[%get3A_70, %dma_start3A_73] : memref<100000x64xf32, #tpu.memory_space<any>> -> memref<1x64xf32, #tpu.memory_space<any>>
      tpu.enqueue_dma source(%dma_start3A_74 : memref<1x64xf32, #tpu.memory_space<any>>) target(%dma_start3A_72 : memref<1x64xf32, #tpu.memory_space<vmem>>) target_semaphore(%arg5 : memref<!tpu.dma_semaphore, #tpu.memory_space<semaphore_mem>>)
      %mul3A_75 = arith.constant 8 : i32
      %mul3A_76 = arith.muli %scan3A_16, %mul3A_75 : i32
      %add3A_77 = arith.constant 6 : i32
      %add3A_78 = arith.addi %mul3A_76, %add3A_77 : i32
      %get3A_79 = arith.index_cast %add3A_78 : i32 to index
      %get3A_80 = memref.load %arg1[%get3A_79] : memref<2048xi32, #tpu.memory_space<smem>>
      %dma_start3A_81 = arith.constant 0 : i32
      %dma_start3A_82 = tpu.memref_slice %arg4[%add3A_78, %dma_start3A_81] : memref<2048x64xf32, #tpu.memory_space<vmem>> -> memref<1x64xf32, #tpu.memory_space<vmem>>
      %dma_start3A_83 = arith.constant 0 : i32
      %dma_start3A_84 = tpu.memref_slice %arg2[%get3A_80, %dma_start3A_83] : memref<100000x64xf32, #tpu.memory_space<any>> -> memref<1x64xf32, #tpu.memory_space<any>>
      tpu.enqueue_dma source(%dma_start3A_84 : memref<1x64xf32, #tpu.memory_space<any>>) target(%dma_start3A_82 : memref<1x64xf32, #tpu.memory_space<vmem>>) target_semaphore(%arg5 : memref<!tpu.dma_semaphore, #tpu.memory_space<semaphore_mem>>)
      %mul3A_85 = arith.constant 8 : i32
      %mul3A_86 = arith.muli %scan3A_16, %mul3A_85 : i32
      %add3A_87 = arith.constant 7 : i32
      %add3A_88 = arith.addi %mul3A_86, %add3A_87 : i32
      %get3A_89 = arith.index_cast %add3A_88 : i32 to index
      %get3A_90 = memref.load %arg1[%get3A_89] : memref<2048xi32, #tpu.memory_space<smem>>
      %dma_start3A_91 = arith.constant 0 : i32
      %dma_start3A_92 = tpu.memref_slice %arg4[%add3A_88, %dma_start3A_91] : memref<2048x64xf32, #tpu.memory_space<vmem>> -> memref<1x64xf32, #tpu.memory_space<vmem>>
      %dma_start3A_93 = arith.constant 0 : i32
      %dma_start3A_94 = tpu.memref_slice %arg2[%get3A_90, %dma_start3A_93] : memref<100000x64xf32, #tpu.memory_space<any>> -> memref<1x64xf32, #tpu.memory_space<any>>
      tpu.enqueue_dma source(%dma_start3A_94 : memref<1x64xf32, #tpu.memory_space<any>>) target(%dma_start3A_92 : memref<1x64xf32, #tpu.memory_space<vmem>>) target_semaphore(%arg5 : memref<!tpu.dma_semaphore, #tpu.memory_space<semaphore_mem>>)
    }
    %scan3A_3 = arith.constant 256 : i32
    %scan3A_4 = arith.constant 0 : i32
    %scan3A_5 = arith.constant 256 : i32
    %scan3A_6 = arith.addi %scan3A_4, %scan3A_5 : i32
    %scan3A_7 = arith.constant 1 : i32
    scf.for %scan3A_16 = %scan3A_4 to %scan3A_6 step %scan3A_7  : i32 {
      %mul3A_17 = arith.constant 8 : i32
      %mul3A_18 = arith.muli %scan3A_16, %mul3A_17 : i32
      %add3A = arith.constant 0 : i32
      %add3A_19 = arith.addi %mul3A_18, %add3A : i32
      %dma_wait3A = arith.constant 0 : i32
      %dma_wait3A_20 = tpu.memref_slice %arg4[%add3A_19, %dma_wait3A] : memref<2048x64xf32, #tpu.memory_space<vmem>> -> memref<1x64xf32, #tpu.memory_space<vmem>>
      %dma_wait3A_21 = arith.constant 0 : i32
      %dma_wait3A_22 = arith.constant 0 : i32
      %dma_wait3A_23 = tpu.memref_slice %arg2[%dma_wait3A_21, %dma_wait3A_22] : memref<100000x64xf32, #tpu.memory_space<any>> -> memref<1x64xf32, #tpu.memory_space<any>>
      tpu.wait_dma2 semaphore(%arg5 : memref<!tpu.dma_semaphore, #tpu.memory_space<semaphore_mem>>) src(%dma_wait3A_23 : memref<1x64xf32, #tpu.memory_space<any>>) dst(%dma_wait3A_20 : memref<1x64xf32, #tpu.memory_space<vmem>>)
      %mul3A_24 = arith.constant 8 : i32
      %mul3A_25 = arith.muli %scan3A_16, %mul3A_24 : i32
      %add3A_26 = arith.constant 1 : i32
      %add3A_27 = arith.addi %mul3A_25, %add3A_26 : i32
      %dma_wait3A_28 = arith.constant 0 : i32
      %dma_wait3A_29 = tpu.memref_slice %arg4[%add3A_27, %dma_wait3A_28] : memref<2048x64xf32, #tpu.memory_space<vmem>> -> memref<1x64xf32, #tpu.memory_space<vmem>>
      %dma_wait3A_30 = arith.constant 0 : i32
      %dma_wait3A_31 = arith.constant 0 : i32
      %dma_wait3A_32 = tpu.memref_slice %arg2[%dma_wait3A_30, %dma_wait3A_31] : memref<100000x64xf32, #tpu.memory_space<any>> -> memref<1x64xf32, #tpu.memory_space<any>>
      tpu.wait_dma2 semaphore(%arg5 : memref<!tpu.dma_semaphore, #tpu.memory_space<semaphore_mem>>) src(%dma_wait3A_32 : memref<1x64xf32, #tpu.memory_space<any>>) dst(%dma_wait3A_29 : memref<1x64xf32, #tpu.memory_space<vmem>>)
      %mul3A_33 = arith.constant 8 : i32
      %mul3A_34 = arith.muli %scan3A_16, %mul3A_33 : i32
      %add3A_35 = arith.constant 2 : i32
      %add3A_36 = arith.addi %mul3A_34, %add3A_35 : i32
      %dma_wait3A_37 = arith.constant 0 : i32
      %dma_wait3A_38 = tpu.memref_slice %arg4[%add3A_36, %dma_wait3A_37] : memref<2048x64xf32, #tpu.memory_space<vmem>> -> memref<1x64xf32, #tpu.memory_space<vmem>>
      %dma_wait3A_39 = arith.constant 0 : i32
      %dma_wait3A_40 = arith.constant 0 : i32
      %dma_wait3A_41 = tpu.memref_slice %arg2[%dma_wait3A_39, %dma_wait3A_40] : memref<100000x64xf32, #tpu.memory_space<any>> -> memref<1x64xf32, #tpu.memory_space<any>>
      tpu.wait_dma2 semaphore(%arg5 : memref<!tpu.dma_semaphore, #tpu.memory_space<semaphore_mem>>) src(%dma_wait3A_41 : memref<1x64xf32, #tpu.memory_space<any>>) dst(%dma_wait3A_38 : memref<1x64xf32, #tpu.memory_space<vmem>>)
      %mul3A_42 = arith.constant 8 : i32
      %mul3A_43 = arith.muli %scan3A_16, %mul3A_42 : i32
      %add3A_44 = arith.constant 3 : i32
      %add3A_45 = arith.addi %mul3A_43, %add3A_44 : i32
      %dma_wait3A_46 = arith.constant 0 : i32
      %dma_wait3A_47 = tpu.memref_slice %arg4[%add3A_45, %dma_wait3A_46] : memref<2048x64xf32, #tpu.memory_space<vmem>> -> memref<1x64xf32, #tpu.memory_space<vmem>>
      %dma_wait3A_48 = arith.constant 0 : i32
      %dma_wait3A_49 = arith.constant 0 : i32
      %dma_wait3A_50 = tpu.memref_slice %arg2[%dma_wait3A_48, %dma_wait3A_49] : memref<100000x64xf32, #tpu.memory_space<any>> -> memref<1x64xf32, #tpu.memory_space<any>>
      tpu.wait_dma2 semaphore(%arg5 : memref<!tpu.dma_semaphore, #tpu.memory_space<semaphore_mem>>) src(%dma_wait3A_50 : memref<1x64xf32, #tpu.memory_space<any>>) dst(%dma_wait3A_47 : memref<1x64xf32, #tpu.memory_space<vmem>>)
      %mul3A_51 = arith.constant 8 : i32
      %mul3A_52 = arith.muli %scan3A_16, %mul3A_51 : i32
      %add3A_53 = arith.constant 4 : i32
      %add3A_54 = arith.addi %mul3A_52, %add3A_53 : i32
      %dma_wait3A_55 = arith.constant 0 : i32
      %dma_wait3A_56 = tpu.memref_slice %arg4[%add3A_54, %dma_wait3A_55] : memref<2048x64xf32, #tpu.memory_space<vmem>> -> memref<1x64xf32, #tpu.memory_space<vmem>>
      %dma_wait3A_57 = arith.constant 0 : i32
      %dma_wait3A_58 = arith.constant 0 : i32
      %dma_wait3A_59 = tpu.memref_slice %arg2[%dma_wait3A_57, %dma_wait3A_58] : memref<100000x64xf32, #tpu.memory_space<any>> -> memref<1x64xf32, #tpu.memory_space<any>>
      tpu.wait_dma2 semaphore(%arg5 : memref<!tpu.dma_semaphore, #tpu.memory_space<semaphore_mem>>) src(%dma_wait3A_59 : memref<1x64xf32, #tpu.memory_space<any>>) dst(%dma_wait3A_56 : memref<1x64xf32, #tpu.memory_space<vmem>>)
      %mul3A_60 = arith.constant 8 : i32
      %mul3A_61 = arith.muli %scan3A_16, %mul3A_60 : i32
      %add3A_62 = arith.constant 5 : i32
      %add3A_63 = arith.addi %mul3A_61, %add3A_62 : i32
      %dma_wait3A_64 = arith.constant 0 : i32
      %dma_wait3A_65 = tpu.memref_slice %arg4[%add3A_63, %dma_wait3A_64] : memref<2048x64xf32, #tpu.memory_space<vmem>> -> memref<1x64xf32, #tpu.memory_space<vmem>>
      %dma_wait3A_66 = arith.constant 0 : i32
      %dma_wait3A_67 = arith.constant 0 : i32
      %dma_wait3A_68 = tpu.memref_slice %arg2[%dma_wait3A_66, %dma_wait3A_67] : memref<100000x64xf32, #tpu.memory_space<any>> -> memref<1x64xf32, #tpu.memory_space<any>>
      tpu.wait_dma2 semaphore(%arg5 : memref<!tpu.dma_semaphore, #tpu.memory_space<semaphore_mem>>) src(%dma_wait3A_68 : memref<1x64xf32, #tpu.memory_space<any>>) dst(%dma_wait3A_65 : memref<1x64xf32, #tpu.memory_space<vmem>>)
      %mul3A_69 = arith.constant 8 : i32
      %mul3A_70 = arith.muli %scan3A_16, %mul3A_69 : i32
      %add3A_71 = arith.constant 6 : i32
      %add3A_72 = arith.addi %mul3A_70, %add3A_71 : i32
      %dma_wait3A_73 = arith.constant 0 : i32
      %dma_wait3A_74 = tpu.memref_slice %arg4[%add3A_72, %dma_wait3A_73] : memref<2048x64xf32, #tpu.memory_space<vmem>> -> memref<1x64xf32, #tpu.memory_space<vmem>>
      %dma_wait3A_75 = arith.constant 0 : i32
      %dma_wait3A_76 = arith.constant 0 : i32
      %dma_wait3A_77 = tpu.memref_slice %arg2[%dma_wait3A_75, %dma_wait3A_76] : memref<100000x64xf32, #tpu.memory_space<any>> -> memref<1x64xf32, #tpu.memory_space<any>>
      tpu.wait_dma2 semaphore(%arg5 : memref<!tpu.dma_semaphore, #tpu.memory_space<semaphore_mem>>) src(%dma_wait3A_77 : memref<1x64xf32, #tpu.memory_space<any>>) dst(%dma_wait3A_74 : memref<1x64xf32, #tpu.memory_space<vmem>>)
      %mul3A_78 = arith.constant 8 : i32
      %mul3A_79 = arith.muli %scan3A_16, %mul3A_78 : i32
      %add3A_80 = arith.constant 7 : i32
      %add3A_81 = arith.addi %mul3A_79, %add3A_80 : i32
      %dma_wait3A_82 = arith.constant 0 : i32
      %dma_wait3A_83 = tpu.memref_slice %arg4[%add3A_81, %dma_wait3A_82] : memref<2048x64xf32, #tpu.memory_space<vmem>> -> memref<1x64xf32, #tpu.memory_space<vmem>>
      %dma_wait3A_84 = arith.constant 0 : i32
      %dma_wait3A_85 = arith.constant 0 : i32
      %dma_wait3A_86 = tpu.memref_slice %arg2[%dma_wait3A_84, %dma_wait3A_85] : memref<100000x64xf32, #tpu.memory_space<any>> -> memref<1x64xf32, #tpu.memory_space<any>>
      tpu.wait_dma2 semaphore(%arg5 : memref<!tpu.dma_semaphore, #tpu.memory_space<semaphore_mem>>) src(%dma_wait3A_86 : memref<1x64xf32, #tpu.memory_space<any>>) dst(%dma_wait3A_83 : memref<1x64xf32, #tpu.memory_space<vmem>>)
    }
    %scan3A_8 = arith.constant 256 : i32
    %get3A = arith.constant 0 : index
    %get3A_9 = arith.constant 0 : index
    %get3A_10 = vector.load %arg4[%get3A, %get3A_9] : memref<2048x64xf32, #tpu.memory_space<vmem>>, vector<2048x64xf32>
    %mul3A = arith.mulf %get3A_10, %get3A_10 : vector<2048x64xf32>
    %reduce_sum3A = arith.constant dense<0.000000e+00> : vector<2048xf32>
    %reduce_sum3A_11 = vector.multi_reduction <add>, %mul3A, %reduce_sum3A [1] : vector<2048x64xf32> to vector<2048xf32>
    %broadcast_in_dim3A = vector.shape_cast %reduce_sum3A_11 : vector<2048xf32> to vector<2048x1xf32>
    %rsqrt3A = math.rsqrt %broadcast_in_dim3A : vector<2048x1xf32>
    %mul3A_12 = vector.broadcast %rsqrt3A : vector<2048x1xf32> to vector<2048x64xf32>
    %mul3A_13 = arith.mulf %get3A_10, %mul3A_12 : vector<2048x64xf32>
    %transpose3A = tpu.transpose %mul3A_13, [1, 0] : vector<2048x64xf32> -> vector<64x2048xf32>
    %swap3A = arith.constant 0 : index
    %swap3A_14 = arith.constant 0 : index
    %swap3A_15 = vector.load %arg3[%swap3A, %swap3A_14] : memref<64x2048xf32, #tpu.memory_space<vmem>>, vector<64x2048xf32>
    tpu.vector_store %arg3[%swap3A, %swap3A_14], %transpose3A {strides = array<i32>} : memref<64x2048xf32, #tpu.memory_space<vmem>>, vector<64x2048xf32>,
    return
  }
  func.func @transform_1(%arg0: i32, %arg1: memref<2048xi32, #tpu.memory_space<smem>>) -> (i32, i32) {
    %c0_i32 = arith.constant 0 : i32
    %c0_i32_0 = arith.constant 0 : i32
    %c0_i32_1 = arith.constant 0 : i32
    return %c0_i32, %c0_i32_0 : i32, i32
  }
}

module attributes {stable_mosaic.version = 14 : i64} {
  func.func @_norm_t_body(%arg0: memref<2048x64xf32, #tpu.memory_space<vmem>>, %arg1: memref<64x2048xf32, #tpu.memory_space<vmem>>) attributes {dimension_semantics = [], scalar_prefetch = 0 : i64, scratch_operands = 0 : i64, tpu.core_type = #tpu.core_type<tc>} {
    %get3A = arith.constant 0 : index
    %get3A_0 = arith.constant 0 : index
    %get3A_1 = vector.load %arg0[%get3A, %get3A_0] : memref<2048x64xf32, #tpu.memory_space<vmem>>, vector<2048x64xf32>
    %mul3A = arith.mulf %get3A_1, %get3A_1 : vector<2048x64xf32>
    %reduce_sum3A = arith.constant dense<0.000000e+00> : vector<2048xf32>
    %reduce_sum3A_2 = vector.multi_reduction <add>, %mul3A, %reduce_sum3A [1] : vector<2048x64xf32> to vector<2048xf32>
    %broadcast_in_dim3A = vector.shape_cast %reduce_sum3A_2 : vector<2048xf32> to vector<2048x1xf32>
    %rsqrt3A = math.rsqrt %broadcast_in_dim3A : vector<2048x1xf32>
    %mul3A_3 = vector.broadcast %rsqrt3A : vector<2048x1xf32> to vector<2048x64xf32>
    %mul3A_4 = arith.mulf %get3A_1, %mul3A_3 : vector<2048x64xf32>
    %transpose3A = tpu.transpose %mul3A_4, [1, 0] : vector<2048x64xf32> -> vector<64x2048xf32>
    %swap3A = arith.constant 0 : index
    %swap3A_5 = arith.constant 0 : index
    %swap3A_6 = vector.load %arg1[%swap3A, %swap3A_5] : memref<64x2048xf32, #tpu.memory_space<vmem>>, vector<64x2048xf32>
    tpu.vector_store %arg1[%swap3A, %swap3A_5], %transpose3A {strides = array<i32>} : memref<64x2048xf32, #tpu.memory_space<vmem>>, vector<64x2048xf32>,
    return
  }
}

</mosaic_0001>

<sc_bundles>
// kernel: kernel.5.cloned.1.call-start
scs
__scs_entry_jumppad:
0x0: {  	(pc) =	sbr.rel $0x88, $3  }
0x1: {  	(tag) =	ssettag $0x0;
	lr =	simm.s32 $0x1  }
0x2: {  	[smem:$0x3F9F] =	sst lr;
	_ =	strace $0xD0000000  }
0x3: {  	_ = 	snop  }
0x4: {  	_ = 	snop  }
0x5: {  	_ = 	snop  }
0x6: {  	_ = 	snop  }
0x7: {  	_ = 	snop  }
__scs_overlays_trampoline_lowered:
0x8: {  	[smem:$0x3FAE] =	sst s0  }
0x9: {  	[smem:$0x3FAF] =	sst s1  }
0xa: {  	[smem:$0x3FB0] =	sst s2  }
0xb: {  	[smem:$0x3FB1] =	sst s3  }
0xc: {  	[smem:$0x3FB2] =	sst s4  }
0xd: {  	[smem:$0x3FB3] =	sst s5  }
0xe: {  	[smem:$0x3FB4] =	sst s6  }
0xf: {  	[smem:$0x3FB5] =	sst s7  }
0x10: {  	[smem:$0x3FB6] =	sst s8  }
0x11: {  	[smem:$0x3FB7] =	sst s9;
	s0 =	simm.s32 @!p0 $0x0  }
0x12: {  	s1 =	sld [smem:$0x3F9D];
	s0 =	simm.s32 @p0 $0x1  }
0x13: {  	[smem:$0x3FB8] =	sst s0;
	s0 =	simm.s32 @!p1 $0x0  }
0x14: {  	s2 =	sld [smem:$0x3F9C];
	s0 =	simm.s32 @p1 $0x1  }
0x15: {  	[smem:$0x3FB9] =	sst s0;
	s0 =	simm.s32 @!p2 $0x0  }
0x16: {  	s3 =	sld [smem:$0x3FDB];
	s0 =	simm.s32 @p2 $0x1  }
0x17: {  	s4 =	simm.s32 $0x1BF5;
	[smem:$0x3FBB] =	sst s0  }
0x18: {  	s0 =	sld [smem:$0x3F9E];
	_ =	swait.ge [sflag:s4], $0x0  }
0x19: {  	s7 =	sld [smem:$0x3F9F]  }
0x1a: {  	s8 =	sadd.s32 $0xFFFFE003, lr  }
0x1b: {  	s9 =	sadd.s32 $0xFFFFFEF7, lr;
	s5 =	simm.s32 $0xFFFFFFFF;
	p2 =	slt.u32 s8, $0xFFFFF086  }
0x1c: {  	p1 =	slt.u32 s9, $0xF7A;
	s5 =	simm.s32 @!p2 $0x0  }
0x1d: {  	s5 =	simm.s32 @p1 $0x1;
	p0 =	seq.s32 s7, s2  }
0x1e: {  	s7 =	smul.u32 @!p0 $0xF7A, s2;
	p2 =	seq.s32 @!p0 s5, $0x0  }
0x1f: {  	s9 =	smul.u32 $0xF7A, s1;
	s8 =	simm.s32 @!p0 $0x1BF5;
	p2 =	por !p2, p0  }
0x20: {  	[sflag:s8] =	ssyncset.s32 @!p0 $0xFFFFF086;
	s6 =	sadd.s32 @!p0 s3, s7;
	s7 =	simm.s32 @!p0 $0x108  }
0x21: {  	s3 =	sadd.s32 s3, s9;
	s6 =	sadd.s32 @!p0 $0x88, s6;
	s7 =	simm.s32 @p2 $0x1082  }
0x22: {  	[simem:s7], [sflag:s8] =	dma.local @!p0 [hbm:s6], $0xF7A  }
0x23: {  	s9 =	sor.u32 $0xD0000000, s2;
	s6 =	simm.s32 $0x108;
	_ =	swait.ge @!p0 [sflag:s8], $0x0  }
0x24: {  	s3 =	sadd.s32 $0x88, s3;
	s6 =	simm.s32 @!p1 $0x1082;
	[sflag:s4] =	ssyncset.s32 $0xFFFFF086  }
0x25: {  	[simem:s6], [sflag:s4] =	dma.local [hbm:s3], $0xF7A  }
0x26: {  	[smem:$0x3F9F] =	sst s1;
	(tag) =	ssettag s2;
	_ =	strace s9  }
0x27: {  	s1 =	sld [smem:$0x3FAF]  }
0x28: {  	s2 =	sld [smem:$0x3FB0]  }
0x29: {  	s4 =	sld [smem:$0x3FB2]  }
0x2a: {  	p0 =	seq.s32 s5, $0x0;
	s5 =	sld [smem:$0x3FB3]  }
0x2b: {  	s6 =	sld [smem:$0x3FB4]  }
0x2c: {  	s7 =	sld [smem:$0x3FB5]  }
0x2d: {  	s3 =	simm.s32 $0x108;
	s8 =	sld [smem:$0x3FB6]  }
0x2e: {  	s3 =	simm.s32 @!p0 $0x1082;
	s9 =	sld [smem:$0x3FB7]  }
0x2f: {  	lr =	sadd.s32 s0, s3;
	s0 =	sld [smem:$0x3FAE]  }
0x30: {  	s3 =	sld [smem:$0x3FB1]  }
0x31: {  	[smem:$0x3FBA] =	sst s10  }
0x32: {  	s10 =	sld [smem:$0x3FB8];
	_ =	sdelay $0x3  }
0x33: {  	p0 =	seq.s32 s10, $0x1;
	s10 =	sld [smem:$0x3FBA];
	_ =	sdelay $0x3  }
0x34: {  	[smem:$0x3FBA] =	sst s10  }
0x35: {  	s10 =	sld [smem:$0x3FB9];
	_ =	sdelay $0x3  }
0x36: {  	p1 =	seq.s32 s10, $0x1;
	s10 =	sld [smem:$0x3FBA];
	_ =	sdelay $0x3  }
0x37: {  	[smem:$0x3FBA] =	sst s10  }
0x38: {  	s10 =	sld [smem:$0x3FBB]  }
0x39: {  	_ = 	snop;
	(pc) =	sbr.ind lr, $3  }
0x3a: {  	_ = 	snop  }
0x3b: {  	_ = 	snop  }
0x3c: {  	p2 =	seq.s32 s10, $0x1;
	s10 =	sld [smem:$0x3FBA]  }
0x3d: {  	_ =	shalt  }
0x3e: {  	_ =	shalt  }
0x3f: {  	_ =	shalt  }
0x40: {  	_ =	shalt  }
0x41: {  	_ =	shalt  }
0x42: {  	_ =	shalt  }
0x43: {  	_ =	shalt  }
0x44: {  	_ =	shalt  }
0x45: {  	_ =	shalt  }
0x46: {  	_ =	shalt  }
0x47: {  	_ =	shalt  }
0x48: {  	_ =	shalt  }
0x49: {  	_ =	shalt  }
0x4a: {  	_ =	shalt  }
0x4b: {  	_ =	shalt  }
0x4c: {  	_ =	shalt  }
0x4d: {  	_ =	shalt  }
0x4e: {  	_ =	shalt  }
0x4f: {  	_ =	shalt  }
0x50: {  	_ =	shalt  }
0x51: {  	_ =	shalt  }
0x52: {  	_ =	shalt  }
0x53: {  	_ =	shalt  }
0x54: {  	_ =	shalt  }
0x55: {  	_ =	shalt  }
0x56: {  	_ =	shalt  }
0x57: {  	_ =	shalt  }
0x58: {  	_ =	shalt  }
0x59: {  	_ =	shalt  }
0x5a: {  	_ =	shalt  }
0x5b: {  	_ =	shalt  }
0x5c: {  	_ =	shalt  }
0x5d: {  	_ =	shalt  }
0x5e: {  	_ =	shalt  }
0x5f: {  	_ =	shalt  }
0x60: {  	_ =	shalt  }
0x61: {  	_ =	shalt  }
0x62: {  	_ =	shalt  }
0x63: {  	_ =	shalt  }
0x64: {  	_ =	shalt  }
0x65: {  	_ =	shalt  }
0x66: {  	_ =	shalt  }
0x67: {  	_ =	shalt  }
0x68: {  	_ =	shalt  }
0x69: {  	_ =	shalt  }
0x6a: {  	_ =	shalt  }
0x6b: {  	_ =	shalt  }
0x6c: {  	_ =	shalt  }
0x6d: {  	_ =	shalt  }
0x6e: {  	_ =	shalt  }
0x6f: {  	_ =	shalt  }
0x70: {  	_ =	shalt  }
0x71: {  	_ =	shalt  }
0x72: {  	_ =	shalt  }
0x73: {  	_ =	shalt  }
0x74: {  	_ =	shalt  }
0x75: {  	_ =	shalt  }
0x76: {  	_ =	shalt  }
0x77: {  	_ =	shalt  }
0x78: {  	_ =	shalt  }
0x79: {  	_ =	shalt  }
0x7a: {  	_ =	shalt  }
0x7b: {  	_ =	shalt  }
0x7c: {  	_ =	shalt  }
0x7d: {  	_ =	shalt  }
0x7e: {  	_ =	shalt  }
0x7f: {  	_ =	shalt  }
0x80: {  	_ =	shalt  }
0x81: {  	_ =	shalt  }
0x82: {  	_ =	shalt  }
0x83: {  	_ =	shalt  }
0x84: {  	_ =	shalt  }
0x85: {  	_ =	shalt  }
0x86: {  	_ =	shalt  }
0x87: {  	_ =	shalt  }
.Lfunc_end0:
.L_simem_size_0:
called_computation_lowered:
.L_overlay_start_0:
0x88: {  	s2 =	sld [smem:$0x3FD9]  }
0x89: {  	s3 =	sld [smem:$0x3FFE];
	_ =	sdelay $0x1  }
0x8a: {  	s1 =	srdreg.scid  }
0x8b: {  	s0 =	sand.u32 $0x1, s1  }
0x8c: {  	s17 =	sshll.u32 s0, $0xA;
	s2 =	sadd.s32 s3, s2  }
0x8d: {  	s2 =	sadd.s32 s2, s17  }
0x8e: {  	[smem:$0x3FC6] =	sst s2  }
0x8f: {  	_ = 	snop  }
0x90: {  	s2 =	sld [smem:$0x3FD0];
	(tm) =	ssettm $0x1  }
0x91: {  	s18 =	sld [smem:$0x3FFB];
	_ =	sdelay $0x3  }
0x92: {  	_ =	strace s18  }
0x93: {  	s3 =	sld [smem:$0x3FFC];
	_ =	sdelay $0x3  }
0x94: {  	_ =	strace s3  }
0x95: {  	s3 =	sld [smem:$0x3FFD];
	_ =	sdelay $0x3  }
0x96: {  	_ =	strace s3  }
0x97: {  	_ =	strace $0x8FFFFFFF  }
0x98: {  	s19 =	sld [smem:$0x3FDB];
	_ =	sdelay $0x1  }
0x99: {  	s4 =	simm.s32 $_scs_section_size  }
0x9a: {  	s5 =	simm.s32 $_size__tile_overlayer_lowered;
	s6 =	simm.s32 $_tile_overlayer_lowered  }
0x9b: {  	s22 =	simm.s32 $0x1BFF;
	s21 =	sshll.u32 s6, $0x1;
	s3 =	sadd.s32 s4, s19  }
0x9c: {  	s7 =	simm.s32 $0x0;
	s20 =	sshll.u32 s5, $0x1;
	s5 =	sadd.s32 s21, s3  }
0x9d: {  	[timem:s7], [sflag:s22] =	dma.local [hbm:s5], s20  }
0x9e: {  	_ =	swait.ge [sflag:s22], s20  }
0x9f: {  	s4 =	ssub.s32 $0x0, s20;
	[sflag:s22] =	ssyncset.done $0x0  }
0xa0: {  	[sflag:s22] =	ssyncadd.s32 s4;
	_ =	sdelay $0x1  }
0xa1: {  	s23 =	simm.s32 $0x1B8B  }
0xa2: {  	_ =	swait.ge [sflag:s23], $0x1  }
0xa3: {  	[sflag:s23] =	ssyncset.done $0x0  }
0xa4: {  	s25 =	simm.s32 $0x1B8E;
	s24 =	sld [smem:$0x3FFE];
	[sflag:s23] =	ssyncadd.s32 $0xFFFFFFFF  }
0xa5: {  	s26 =	simm.s32 $execute0_lowered;
	[smem:$0x3FD2] =	sst s25  }
0xa6: {  	s5 =	sshll.u32 s26, $0x1;
	_ =	strace $0x80000046;
	[dreg:$0x1] =	wrdreg $0xFFFFFFFF  }
0xa7: {  	s28 =	simm.s32 $_size_execute0_lowered;
	s3 =	sadd.s32 s3, s5;
	[dreg:$0x0] =	wrdreg $0x0  }
0xa8: {  	s5 =	sshll.u32 s28, $0x1;
	[dreg:$0x2] =	wrdreg s3  }
0xa9: {  	[dreg:$0x3] =	wrdreg s5  }
0xaa: {  	[dreg:$0x4] =	wrdreg $0xC0  }
0xab: {  	_ =	task [dreg:s7], $0x5FFFF  }
0xac: {  	[dreg:$0x1] =	wrdreg $0xFFFFFFFF  }
0xad: {  	[dreg:$0x0] =	wrdreg $0x60  }
0xae: {  	[dreg:$0x2] =	wrdreg s24  }
0xaf: {  	[dreg:$0x3] =	wrdreg s2  }
0xb0: {  	[dreg:$0x4] =	wrdreg $0x9  }
0xb1: {  	_ =	task.clear_ibuf [dreg:s7], $0x5FFFF;
	_ =	strace $0x90000046  }
0xb2: {  	s29 =	simm.s32 $0x9;
	_ =	strace $0x80000048  }
0xb3: {  	_ =	swait.ge [sflag:s29], $0x1  }
0xb4: {  	[sflag:s29] =	ssyncadd.s32 $0xFFFFFFFF  }
0xb5: {  	_ =	strace $0x90000048  }
0xb6: {  	_ =	sfence  }
0xb7: {  	s30 =	sld [smem:$0x0];
	_ =	sdelay $0x2  }
0xb8: {  	s31 =	sshll.u32 s1, $0xD;
	s1 =	sshrl.u32 s1, $0x2  }
0xb9: {  	s3 =	sand.u32 $0x4000, s31;
	s1 =	sadd.s32 s1, s30  }
0xba: {  	s0 =	sor.u32 s3, s0;
	s1 =	sshll.u32 s1, $0x11  }
0xbb: {  	s0 =	sor.u32 s1, s0  }
0xbc: {  	s0 =	sadd.s32 $0x8F2B, s0  }
0xbd: {  	[sflag:s0] =	ssyncadd.remote.s32 $0x1  }
0xbe: {  	_ =	sfence.sel $0xFFFF  }
0xbf: {  	[dreg:$0x0] =	wrdreg $0xFFFFFFFF;
	(pc) =	sbr.abs _section_cstart, $3  }
0xc0: {  	[dreg:$0x1] =	wrdreg $0xFFFFFFFF  }
0xc1: {  	_ =	task.clear_ibuf [dreg:s7], $0x2FFFF;
	_ =	strace $0x9FFFFFFF  }
0xc2: {  	(tm) =	ssettm $0x7FFFFFFF  }
0xc3: {  	_ =	shalt  }
tec
execute0_lowered:
.L_overlay_start_1:
0x0: {  	(tag) =	ssettag $0x1  }
0x1: {  	s1 =	srdreg.scid;
	s3 =	rddreg [dreg:$0x0]  }
0x2: {  	s0 =	stileid.u32;
	s5 =	rddreg [dreg:$0x1];
	s2 =	simm.s32 $0x0  }
0x3: {  	s9 =	simm.s32 $0x80;
	s10 =	simm.s32 $0x3;
	s4 =	sand.u32 $0x1, s1  }
0x4: {  	s11 =	simm.s32 $0x0;
	s6 =	sshll.u32 s0, $0x7;
	s7 =	sshll.u32 s4, $0x6  }
0x5: {  	[smem:$0x7FF] =	sst s2;
	s4 =	ssub.s32 $0x2, s4;
	s6 =	sor.u32 s7, s6  }
0x6: {  	_ =	strace $0x80000047;
	s8 =	sshrl.u32 s4, $0x1;
	s7 =	sshrl.u32 s6, $0x3  }
0x7: {  	s6 =	sshll.u32 s6, $0x4;
	s8 =	ssub.s32 s4, s8;
	s7 =	sadd.s32 s7, s3  }
0x8: {  	s3 =	sadd.s32 $0xA00, s3;
	s5 =	sadd.s32 s5, s6;
	s6 =	smax.u32 s8, $0x1  }
0x9: {  	s8 =	simm.s32 $0x2;
	s4 =	sadd.s32 $0x187400, s7;
	s7 =	simm.s32 $0x1  }
.LBB2_1:
0xa: {  	[tilespmem:s2], [sflag:$0x1] =	stream.linear.gather [hbm4b:s4+s2], $0x40, $0x38;
	[tilespmem:$0x2080] =	vst v63  }
0xb: {  	_ =	swait.ge [sflag:s7], $0x40  }
0xc: {  	[sflag:s7] =	ssyncset.done $0x0  }
0xd: {  	[sflag:s7] =	ssyncadd.s32 $0xFFFFFFC0  }
0xe: {  	v0 =	vld [tilespmem:s2+$0x0];
	_ =	sdelay $0x4  }
0xf: {  	v0 =	vshll.u32 v0, $0x4  }
0x10: {  	(v2sf) =	vpush v0, $0x0  }
0x11: {  	(v2sf) =	vpush v0, $0x1  }
0x12: {  	(v2sf) =	vpush v0, $0x2;
	_ =	sdelay $0x1  }
0x13: {  	(v2sf) =	vpush v0, $0x4;
	_ =	sdelay $0x1  }
0x14: {  	(v2sf) =	vpush v0, $0x3  }
0x15: {  	(v2sf) =	vpush v0, $0x5  }
0x16: {  	s13 =	simm.s32 $0x2000;
	s12 =	simm.s32 $0x0;
	s14 =	simm.s32 $0x0;
	(v2sf) =	vpush v0, $0x6  }
.LBB2_2:
0x17: {  	p0 =	sne.s32 s13, $0x6000  }
0x18: {  	s24 =	sadd.s32 $0x100, s12;
	s18 =	sadd.s32 $0x600, s12;
	s15 =	smov.u32 s13  }
0x19: {  	s13 =	sadd.s32 $0x2000, s13;
	s21 =	sadd.s32 $0x400, s12;
	s16 =	sadd.s32 $0x680, s12;
	(v2sf) =	vpush v0, $0x7  }
0x1a: {  	s23 =	sadd.s32 $0x300, s12;
	s20 =	sadd.s32 $0x480, s12;
	s17 =	sadd.s32 $0x700, s12  }
0x1b: {  	s25 =	sadd.s32 $0x80, s12;
	s26 =	sadd.s32 $0x280, s12;
	(v2sf) =	vpush v0, $0x8  }
0x1c: {  	s28 =	sadd.s32 $0x380, s12;
	s14 =	sadd.s32 $0x10, s14  }
0x1d: {  	s29 =	sadd.s32 $0x180, s12;
	s19 =	sadd.s32 $0x580, s12;
	s22 =	spop (v2sf);
	(v2sf) =	vpush v0, $0x9  }
0x1e: {  	s30 =	sand.u32 $0x1FFFFFF0, s22;
	s22 =	sadd.s32 $0x500, s12;
	s31 =	spop (v2sf)  }
0x1f: {  	s30 =	sadd.s32 s3, s30;
	s31 =	sand.u32 $0x1FFFFFF0, s31;
	s1 =	spop (v2sf);
	(v2sf) =	vpush v0, $0xA  }
0x20: {  	[tilespmem:s25], [sflag:$0x2] =	stream.linear.gather [hbm4b:s30+s2], $0x80, $0x38;
	[tilespmem:$0x2080] =	vst v63  }
0x21: {  	s25 =	sadd.s32 s3, s31;
	s30 =	sadd.s32 $0x200, s12;
	s31 =	spop (v2sf);
	(v2sf) =	vpush v0, $0xB  }
0x22: {  	[tilespmem:s24], [sflag:$0x2] =	stream.linear.gather [hbm4b:s25+s2], $0x80, $0x38;
	[tilespmem:$0x2080] =	vst v63  }
0x23: {  	s1 =	sand.u32 $0x1FFFFFF0, s1;
	s24 =	sand.u32 $0x1FFFFFF0, s31;
	s25 =	spop (v2sf);
	(v2sf) =	vpush v0, $0xC  }
0x24: {  	s1 =	sadd.s32 s3, s1;
	s25 =	sand.u32 $0x1FFFFFF0, s25;
	s31 =	spop (v2sf)  }
0x25: {  	[tilespmem:s29], [sflag:$0x2] =	stream.linear.gather [hbm4b:s1+s2], $0x80, $0x38;
	(v2sf) =	vpush v0, $0xD;
	[tilespmem:$0x2080] =	vst v63  }
0x26: {  	s1 =	sadd.s32 s3, s25;
	s25 =	sand.u32 $0x1FFFFFF0, s31;
	s29 =	spop (v2sf)  }
0x27: {  	[tilespmem:s30], [sflag:$0x2] =	stream.linear.gather [hbm4b:s1+s2], $0x80, $0x38;
	(v2sf) =	vpush v0, $0xE;
	[tilespmem:$0x2080] =	vst v63  }
0x28: {  	s1 =	sadd.s32 s3, s24;
	s24 =	sand.u32 $0x1FFFFFF0, s29;
	s29 =	spop (v2sf)  }
0x29: {  	[tilespmem:s26], [sflag:$0x2] =	stream.linear.gather [hbm4b:s1+s2], $0x80, $0x38;
	(v2sf) =	vpush v0, $0xF;
	[tilespmem:$0x2080] =	vst v63  }
0x2a: {  	s1 =	sadd.s32 s3, s25;
	s25 =	sand.u32 $0x1FFFFFF0, s29;
	s26 =	spop (v2sf)  }
0x2b: {  	[tilespmem:s23], [sflag:$0x2] =	stream.linear.gather [hbm4b:s1+s2], $0x80, $0x38;
	[tilespmem:$0x2080] =	vst v63  }
0x2c: {  	s1 =	sadd.s32 s3, s24;
	s23 =	sand.u32 $0x1FFFFFF0, s26;
	s24 =	spop (v2sf)  }
0x2d: {  	[tilespmem:s28], [sflag:$0x2] =	stream.linear.gather [hbm4b:s1+s2], $0x80, $0x38;
	[tilespmem:$0x2080] =	vst v63  }
0x2e: {  	s1 =	sadd.s32 s3, s25;
	s24 =	sand.u32 $0x1FFFFFF0, s24;
	s25 =	spop (v2sf)  }
0x2f: {  	[tilespmem:s21], [sflag:$0x2] =	stream.linear.gather [hbm4b:s1+s2], $0x80, $0x38;
	[tilespmem:$0x2080] =	vst v63  }
0x30: {  	s1 =	sadd.s32 s3, s23;
	s21 =	sand.u32 $0x1FFFFFF0, s25;
	s23 =	spop (v2sf)  }
0x31: {  	[tilespmem:s20], [sflag:$0x2] =	stream.linear.gather [hbm4b:s1+s2], $0x80, $0x38;
	[tilespmem:$0x2080] =	vst v63  }
0x32: {  	s1 =	sadd.s32 s3, s24;
	s20 =	sand.u32 $0x1FFFFFF0, s23;
	s23 =	spop (v2sf)  }
0x33: {  	[tilespmem:s22], [sflag:$0x2] =	stream.linear.gather [hbm4b:s1+s2], $0x80, $0x38;
	[tilespmem:$0x2080] =	vst v63  }
0x34: {  	s1 =	sadd.s32 s3, s21;
	s21 =	sand.u32 $0x1FFFFFF0, s23;
	s22 =	spop (v2sf)  }
0x35: {  	[tilespmem:s19], [sflag:$0x2] =	stream.linear.gather [hbm4b:s1+s2], $0x80, $0x38;
	[tilespmem:$0x2080] =	vst v63  }
0x36: {  	s1 =	sadd.s32 s3, s20;
	s19 =	sand.u32 $0x1FFFFFF0, s22;
	s20 =	spop (v2sf)  }
0x37: {  	[tilespmem:s18], [sflag:$0x2] =	stream.linear.gather [hbm4b:s1+s2], $0x80, $0x38;
	[tilespmem:$0x2080] =	vst v63  }
0x38: {  	s1 =	sadd.s32 s3, s21;
	s18 =	sand.u32 $0x1FFFFFF0, s20;
	s20 =	spop (v2sf)  }
0x39: {  	[tilespmem:s16], [sflag:$0x2] =	stream.linear.gather [hbm4b:s1+s2], $0x80, $0x38;
	[tilespmem:$0x2080] =	vst v63  }
0x3a: {  	s1 =	sadd.s32 s3, s19;
	s16 =	sand.u32 $0x1FFFFFF0, s20  }
0x3b: {  	[tilespmem:s17], [sflag:$0x2] =	stream.linear.gather [hbm4b:s1+s2], $0x80, $0x38;
	[tilespmem:$0x2080] =	vst v63  }
0x3c: {  	s1 =	sadd.s32 $0x780, s12;
	s17 =	sadd.s32 s3, s18  }
0x3d: {  	[tilespmem:s1], [sflag:$0x2] =	stream.linear.gather [hbm4b:s17+s2], $0x80, $0x38;
	[tilespmem:$0x2080] =	vst v63  }
0x3e: {  	s1 =	sadd.s32 $0x800, s12;
	s12 =	sadd.s32 s3, s16  }
0x3f: {  	[tilespmem:s1], [sflag:$0x2] =	stream.linear.gather [hbm4b:s12+s2], $0x80, $0x38;
	[tilespmem:$0x2080] =	vst v63  }
0x40: {  	v0 =	vld [tilespmem:s14+$0x0];
	_ =	sdelay $0x4  }
0x41: {  	v0 =	vshll.u32 v0, $0x4  }
0x42: {  	(v2sf) =	vpush v0, $0x0  }
0x43: {  	(v2sf) =	vpush v0, $0x1  }
0x44: {  	(v2sf) =	vpush v0, $0x2;
	_ =	sdelay $0x1  }
0x45: {  	(v2sf) =	vpush v0, $0x4  }
.Ltmp0:
0x46: {  	(pc) =	sbr.rel @p0 .LBB2_2-.Ltmp0, $3  }
0x47: {  	(v2sf) =	vpush v0, $0x3  }
0x48: {  	(v2sf) =	vpush v0, $0x5;
	_ =	sdelay $0x1  }
0x49: {  	s12 =	sshra.s32 s15, $0x2;
	(v2sf) =	vpush v0, $0x6  }
0x4a: {  	_ =	sdelay $0x1  }
0x4b: {  	s1 =	sadd.s32 $0x100, s12;
	s15 =	sadd.s32 $0x600, s12  }
0x4c: {  	s16 =	sadd.s32 $0x400, s12;
	s13 =	sadd.s32 $0x680, s12;
	(v2sf) =	vpush v0, $0x7;
	s17 =	sadd.s32 $0x300, s12  }
0x4d: {  	s18 =	sadd.s32 $0x480, s12;
	s14 =	sadd.s32 $0x700, s12;
	s19 =	sadd.s32 $0x80, s12  }
0x4e: {  	s20 =	sadd.s32 $0x280, s12;
	s21 =	sadd.s32 $0x380, s12;
	(v2sf) =	vpush v0, $0x8;
	s22 =	spop (v2sf)  }
0x4f: {  	s23 =	sadd.s32 $0x180, s12;
	s22 =	sand.u32 $0x1FFFFFF0, s22;
	s24 =	spop (v2sf)  }
0x50: {  	(v2sf) =	vpush v0, $0x9;
	s22 =	sadd.s32 s3, s22;
	s24 =	sand.u32 $0x1FFFFFF0, s24;
	s25 =	spop (v2sf)  }
0x51: {  	[tilespmem:s19], [sflag:$0x2] =	stream.linear.gather [hbm4b:s22+s2], $0x80, $0x38;
	[tilespmem:$0x2080] =	vst v63  }
0x52: {  	(v2sf) =	vpush v0, $0xA;
	s26 =	sadd.s32 s3, s24;
	s29 =	sand.u32 $0x1FFFFFF0, s25;
	s28 =	spop (v2sf)  }
0x53: {  	[tilespmem:s1], [sflag:$0x2] =	stream.linear.gather [hbm4b:s26+s2], $0x80, $0x38;
	[tilespmem:$0x2080] =	vst v63  }
0x54: {  	s19 =	sadd.s32 $0x580, s12;
	(v2sf) =	vpush v0, $0xB;
	s22 =	sadd.s32 s3, s29;
	s30 =	spop (v2sf)  }
0x55: {  	s1 =	sadd.s32 $0x500, s12;
	s26 =	sadd.s32 $0x200, s12;
	s25 =	sand.u32 $0x1FFFFFF0, s30  }
0x56: {  	(v2sf) =	vpush v0, $0xC;
	[tilespmem:s23], [sflag:$0x2] =	stream.linear.gather [hbm4b:s22+s2], $0x80, $0x38;
	[tilespmem:$0x2080] =	vst v63  }
0x57: {  	s31 =	sand.u32 $0x1FFFFFF0, s28;
	s28 =	spop (v2sf);
	s29 =	sadd.s32 s3, s25  }
0x58: {  	(v2sf) =	vpush v0, $0xD;
	[tilespmem:s26], [sflag:$0x2] =	stream.linear.gather [hbm4b:s29+s2], $0x80, $0x38;
	[tilespmem:$0x2080] =	vst v63  }
0x59: {  	s22 =	sadd.s32 s3, s31;
	s23 =	sand.u32 $0x1FFFFFF0, s28;
	s30 =	spop (v2sf)  }
0x5a: {  	(v2sf) =	vpush v0, $0xE;
	[tilespmem:s20], [sflag:$0x2] =	stream.linear.gather [hbm4b:s22+s2], $0x80, $0x38;
	[tilespmem:$0x2080] =	vst v63  }
0x5b: {  	s23 =	sadd.s32 s3, s23;
	s31 =	sand.u32 $0x1FFFFFF0, s30;
	s24 =	spop (v2sf)  }
0x5c: {  	(v2sf) =	vpush v0, $0xF;
	[tilespmem:s17], [sflag:$0x2] =	stream.linear.gather [hbm4b:s23+s2], $0x80, $0x38;
	[tilespmem:$0x2080] =	vst v63  }
0x5d: {  	s25 =	sand.u32 $0x1FFFFFF0, s24;
	s26 =	spop (v2sf);
	s20 =	sadd.s32 s3, s31  }
0x5e: {  	[tilespmem:s21], [sflag:$0x2] =	stream.linear.gather [hbm4b:s20+s2], $0x80, $0x38;
	[tilespmem:$0x2080] =	vst v63  }
0x5f: {  	s28 =	sand.u32 $0x1FFFFFF0, s26;
	s17 =	sadd.s32 s3, s25;
	s29 =	spop (v2sf)  }
0x60: {  	[tilespmem:s16], [sflag:$0x2] =	stream.linear.gather [hbm4b:s17+s2], $0x80, $0x38;
	[tilespmem:$0x2080] =	vst v63  }
0x61: {  	s20 =	sadd.s32 s3, s28;
	s30 =	sand.u32 $0x1FFFFFF0, s29;
	s31 =	spop (v2sf)  }
0x62: {  	[tilespmem:s18], [sflag:$0x2] =	stream.linear.gather [hbm4b:s20+s2], $0x80, $0x38;
	[tilespmem:$0x2080] =	vst v63  }
0x63: {  	s17 =	sand.u32 $0x1FFFFFF0, s31;
	s16 =	sadd.s32 s3, s30;
	s20 =	spop (v2sf)  }
0x64: {  	[tilespmem:s1], [sflag:$0x2] =	stream.linear.gather [hbm4b:s16+s2], $0x80, $0x38;
	[tilespmem:$0x2080] =	vst v63  }
0x65: {  	s17 =	sadd.s32 s3, s17;
	s21 =	sand.u32 $0x1FFFFFF0, s20;
	s22 =	spop (v2sf)  }
0x66: {  	[tilespmem:s19], [sflag:$0x2] =	stream.linear.gather [hbm4b:s17+s2], $0x80, $0x38;
	[tilespmem:$0x2080] =	vst v63  }
0x67: {  	s1 =	sadd.s32 s3, s21;
	s16 =	sand.u32 $0x1FFFFFF0, s22;
	s23 =	spop (v2sf)  }
0x68: {  	[tilespmem:s15], [sflag:$0x2] =	stream.linear.gather [hbm4b:s1+s2], $0x80, $0x38;
	[tilespmem:$0x2080] =	vst v63  }
0x69: {  	s24 =	sand.u32 $0x1FFFFFF0, s23;
	s16 =	sadd.s32 s3, s16;
	s25 =	spop (v2sf)  }
0x6a: {  	[tilespmem:s13], [sflag:$0x2] =	stream.linear.gather [hbm4b:s16+s2], $0x80, $0x38;
	[tilespmem:$0x2080] =	vst v63  }
0x6b: {  	s26 =	sand.u32 $0x1FFFFFF0, s25;
	s28 =	spop (v2sf);
	s1 =	sadd.s32 s3, s24  }
0x6c: {  	[tilespmem:s14], [sflag:$0x2] =	stream.linear.gather [hbm4b:s1+s2], $0x80, $0x38;
	[tilespmem:$0x2080] =	vst v63  }
0x6d: {  	s30 =	sadd.s32 $0x780, s12;
	s29 =	sand.u32 $0x1FFFFFF0, s28;
	s13 =	sadd.s32 s3, s26  }
0x6e: {  	[tilespmem:s30], [sflag:$0x2] =	stream.linear.gather [hbm4b:s13+s2], $0x80, $0x38;
	[tilespmem:$0x2080] =	vst v63  }
0x6f: {  	s31 =	sadd.s32 $0x800, s12;
	s1 =	sadd.s32 s3, s29  }
0x70: {  	[tilespmem:s31], [sflag:$0x2] =	stream.linear.gather [hbm4b:s1+s2], $0x80, $0x38;
	[tilespmem:$0x2080] =	vst v63  }
0x71: {  	s11 =	sadd.s32 $0x1, s11;
	_ =	swait.ge [sflag:s8], $0x2000  }
0x72: {  	p0 =	sne.s32 s11, s6;
	[sflag:s8] =	ssyncset.done $0x0  }
.Ltmp1:
0x73: {  	[sflag:s8] =	ssyncadd.s32 $0xFFFFE000;
	(pc) =	sbr.rel @p0 .LBB2_1-.Ltmp1, $4  }
0x74: {  	[hbm4b:s5+s2] =	stream.linear.scatter [tilespmem:s9], [sflag:$0x3], $0x2000, $0x38;
	[tilespmem:$0x2080] =	vst v63  }
0x75: {  	_ =	swait.ge [sflag:s10], $0x2000  }
0x76: {  	[sflag:s10] =	ssyncset.done $0x0  }
0x77: {  	[sflag:s10] =	ssyncadd.s32 $0xFFFFE000  }
0x78: {  	_ =	sfence.sel $0x180000  }
0x79: {  	[bflag:$0x0] =	sbarrier.arrive $0xFFFF  }
0x7a: {  	_ =	strace $0x90000047  }
0x7b: {  	[bflag:$0x2] =	sbarrier.arrive $0xFFFF  }
0x7c: {  	p0 =	sne.s32 s0, $0x0;
	s0 =	rddreg [dreg:$0x2]  }
0x7d: {  	s0 =	sadd.s32 @!p0 $0x100000, s0  }
0x7e: {  	[sflag:s0] =	ssyncadd.tile.s32 @!p0 $0x1;
	_ =	shalt  }
.Lfunc_end2:
_tile_overlayer_lowered:
.L_overlay_start_2:
0x7f: {  	(tag) =	ssettag $0x2  }
0x80: {  	s0 =	rddreg [dreg:$0x0];
	s2 =	stileid.u32  }
0x81: {  	s1 =	rddreg [dreg:$0x1];
	p0 =	sne.s32 s2, $0x0  }
0x82: {  	s3 =	rddreg [dreg:$0x2];
	[bflag:$0x3] =	sbarrier.arrive $0xFFFF;
	s2 =	simm.s32 @!p0 $0x1C03  }
0x83: {  	[timem:s3], [sflag:s2] =	dma.local @!p0 [hbm:s0], s1  }
0x84: {  	s0 =	simm.s32 @!p0 $0x3  }
0x85: {  	_ =	swait.ge @!p0 [sflag:s0], s1  }
0x86: {  	s1 =	ssub.s32 @!p0 $0x0, s1;
	[sflag:s0] =	ssyncset.done @!p0 $0x0  }
0x87: {  	[sflag:s0] =	ssyncadd.s32 @!p0 s1  }
0x88: {  	[bflag:$0x3] =	sbarrier.arrive $0xFFFF  }
0x89: {  	_ =	shalt  }

</sc_bundles>
